<compile_context>
chip_gen: v7x
topology: tpu7x:2x2x1
jax: 0.10.2.dev20260603
libtpu: 0.0.44.dev20260713+nightly
codegen_flags: <defaults>
</compile_context>

<pallas_src>
import jax
import jax.numpy as jnp
from jax import lax
from jax.experimental import pallas as pl
from jax.experimental.pallas import tpu as pltpu
from jax.experimental.pallas import tpu_sc as plsc

N = 10000
E = 320000
D = 128
NC = 2
NS = 16
LOG2 = 0.6931471805599453

NSPLIT = 1
EH = E // NSPLIT
EDGES_PER_TILE = EH // (NC * NS)
CHUNK = 80
NCHUNK = EDGES_PER_TILE // CHUNK
N_PAD = 10240
ROWS_PER_TILE = N_PAD // NS


def _ssp(t):
    return jnp.maximum(t, 0.0) + jnp.log1p(jnp.exp(-jnp.abs(t))) - LOG2



def _filter_body(ea_ref, cf1_ref, cf2_ref, cf2b_ref, x_ref, l1w_ref, l1b_ref,
                 o_ref, v_ref):
    i = pl.program_id(0)

    @pl.when(i < N // 2000)
    def _():
        v_ref[...] = lax.dot_general(
            x_ref[...], l1w_ref[...], (((1,), (1,)), ((), ())),
            preferred_element_type=jnp.float32) + l1b_ref[...]

    h = lax.dot_general(
        ea_ref[...], cf1_ref[...], (((1,), (1,)), ((), ())),
        preferred_element_type=jnp.float32)
    h = _ssp(h)
    h = lax.dot_general(
        h, cf2_ref[...], (((1,), (1,)), ((), ())),
        preferred_element_type=jnp.float32) + cf2b_ref[...]
    o_ref[...] = _ssp(h)


def _post_body(x_ref, agg0_ref, w2_ref, b2_ref, w3_ref, b3_ref, o_ref):
    a = agg0_ref[0] + agg0_ref[1]
    h = _ssp(lax.dot_general(
        a, w2_ref[...], (((1,), (1,)), ((), ())),
        preferred_element_type=jnp.float32) + b2_ref[...])
    o_ref[...] = x_ref[...] + lax.dot_general(
        h, w3_ref[...], (((1,), (1,)), ((), ())),
        preferred_element_type=jnp.float32) + b3_ref[...]



def _sc_body(v_hbm, w_hbm, src_hbm, dst_hbm, out_hbm,
             idx0, idx1, idx2, idx3, dst0, dst1, dst2, dst3,
             rows0, rows1, w0, w1, agg_sh,
             gsem0, gsem1, wsem0, wsem1,
             isem0, isem1, isem2, isem3, dsem0, dsem1, dsem2, dsem3):
    c = lax.axis_index("c")
    s = lax.axis_index("s")
    idx = (idx0, idx1, idx2, idx3)
    dsti = (dst0, dst1, dst2, dst3)
    rows = (rows0, rows1)
    wbuf = (w0, w1)
    gsem = (gsem0, gsem1)
    wsem = (wsem0, wsem1)
    isem = (isem0, isem1, isem2, isem3)
    dsem = (dsem0, dsem1, dsem2, dsem3)

    def zrow(i, _):
        for j in range(D // 16):
            rows0[i, pl.ds(j * 16, 16)] = jnp.zeros((16,), jnp.float32)
        return 0
    lax.fori_loop(0, CHUNK, zrow, 0)

    def zslice(k, _):
        pltpu.sync_copy(rows0, agg_sh.at[pl.ds(s * ROWS_PER_TILE + k * CHUNK, CHUNK)])
        return 0
    lax.fori_loop(0, ROWS_PER_TILE // CHUNK, zslice, 0)
    plsc.subcore_barrier()

    base = (c * NS + s) * EDGES_PER_TILE

    def issue_idx(q, off):
        pltpu.async_copy(src_hbm.at[pl.ds(off, CHUNK)], idx[q], isem[q])
        pltpu.async_copy(dst_hbm.at[pl.ds(off, CHUNK)], dsti[q], dsem[q])

    def issue_main(b, q, off):
        pltpu.make_async_copy(src_hbm.at[pl.ds(off, CHUNK)], idx[q], isem[q]).wait()
        pltpu.async_copy(w_hbm.at[pl.ds(off, CHUNK)], wbuf[b], wsem[b])
        pltpu.async_copy(v_hbm.at[idx[q]], rows[b], gsem[b])

    def consume(b, q, off):
        pltpu.make_async_copy(w_hbm.at[pl.ds(off, CHUNK)], wbuf[b], wsem[b]).wait()
        pltpu.make_async_copy(v_hbm.at[idx[q]], rows[b], gsem[b]).wait()

        @plsc.parallel_loop(0, CHUNK, step=1)
        def mrow(i2):
            for j in range(D // 16):
                sl = pl.ds(j * 16, 16)
                rows[b][i2, sl] = rows[b][i2, sl] * wbuf[b][i2, sl]

        pltpu.make_async_copy(dst_hbm.at[pl.ds(off, CHUNK)], dsti[q], dsem[q]).wait()
        pltpu.sync_copy(rows[b], agg_sh.at[dsti[q]], add=True)

    for q in range(4):
        issue_idx(q, base + q * CHUNK)
    for b in range(2):
        issue_main(b, b, base + b * CHUNK)

    nquad = NCHUNK // 4

    def step(i, _):
        for q in range(4):
            b = q % 2
            k = 4 * i + q
            off = base + k * CHUNK
            consume(b, q, off)

            @pl.when(k + 4 < NCHUNK)
            def _():
                issue_idx(q, off + 4 * CHUNK)

            @pl.when(k + 2 < NCHUNK)
            def _():
                issue_main(b, (q + 2) % 4, off + 2 * CHUNK)
        return 0
    lax.fori_loop(0, nquad, step, 0)
    for k in range(4 * nquad, NCHUNK):
        consume(k % 2, k % 4, base + k * CHUNK)
    plsc.subcore_barrier()

    def rd(k, _):
        r0 = s * ROWS_PER_TILE + k * CHUNK
        pltpu.sync_copy(agg_sh.at[pl.ds(r0, CHUNK)], out_hbm.at[c, pl.ds(r0, CHUNK)])
        return 0
    lax.fori_loop(0, ROWS_PER_TILE // CHUNK, rd, 0)


def _sc_gather_scatter(v, w, src, dst):
    mesh = plsc.VectorSubcoreMesh(
        core_axis_name="c", subcore_axis_name="s", num_cores=NC, num_subcores=NS)
    f = pl.kernel(
        _sc_body,
        out_type=jax.ShapeDtypeStruct((NC, N_PAD, D), jnp.float32),
        mesh=mesh,
        scratch_types=(
            [pltpu.VMEM((CHUNK,), jnp.int32)] * 8
            + [pltpu.VMEM((CHUNK, D), jnp.float32)] * 4
            + [pltpu.VMEM_SHARED((N_PAD, D), jnp.float32)]
            + [pltpu.SemaphoreType.DMA] * 12
        ),
    )
    return f(v, w, src, dst)



def _filter_call(ea):
    BE = 8000
    BN = 2000
    nv = N // BN
    return pl.pallas_call(
        _filter_body,
        grid=(EH // BE,),
        in_specs=[
            pl.BlockSpec((BE, 16), lambda i: (i, 0)),
            pl.BlockSpec((D, 16), lambda i: (0, 0)),
            pl.BlockSpec((D, D), lambda i: (0, 0)),
            pl.BlockSpec((1, D), lambda i: (0, 0)),
            pl.BlockSpec((BN, D), lambda i: (jnp.minimum(i, nv - 1), 0)),
            pl.BlockSpec((D, D), lambda i: (0, 0)),
            pl.BlockSpec((1, D), lambda i: (0, 0)),
        ],
        out_specs=[
            pl.BlockSpec((BE, D), lambda i: (i, 0)),
            pl.BlockSpec((BN, D), lambda i: (jnp.minimum(i, nv - 1), 0)),
        ],
        out_shape=[
            jax.ShapeDtypeStruct((EH, D), jnp.float32),
            jax.ShapeDtypeStruct((N, D), jnp.float32),
        ],
    )


@jax.jit
def _run(x, edge_index, edge_attr, lin1_w, lin1_b, cf1_w, cf2_w, cf2_b,
         lin2_w, lin2_b, lin3_w, lin3_b):
    src = edge_index[0].astype(jnp.int32)
    dst = edge_index[1].astype(jnp.int32)

    BN = 2000
    w_e, v = _filter_call(edge_attr)(
        edge_attr, cf1_w, cf2_w, cf2_b.reshape(1, D),
        x, lin1_w, lin1_b.reshape(1, D))
    agg = _sc_gather_scatter(v, w_e, src, dst)

    out = pl.pallas_call(
        _post_body,
        grid=(N // BN,),
        in_specs=[
            pl.BlockSpec((BN, D), lambda i: (i, 0)),
            pl.BlockSpec((NC, BN, D), lambda i: (0, i, 0)),
            pl.BlockSpec((D, D), lambda i: (0, 0)),
            pl.BlockSpec((1, D), lambda i: (0, 0)),
            pl.BlockSpec((D, D), lambda i: (0, 0)),
            pl.BlockSpec((1, D), lambda i: (0, 0)),
        ],
        out_specs=pl.BlockSpec((BN, D), lambda i: (i, 0)),
        out_shape=jax.ShapeDtypeStruct((N, D), jnp.float32),
    )(x, agg, lin2_w, lin2_b.reshape(1, D),
      lin3_w, lin3_b.reshape(1, D))
    return out


def kernel(x, edge_index, edge_attr, lin1_w, lin1_b, cf1_w, cf2_w, cf2_b,
           lin2_w, lin2_b, lin3_w, lin3_b):
    return _run(x, edge_index, edge_attr, lin1_w, lin1_b, cf1_w, cf2_w, cf2_b,
                lin2_w, lin2_b, lin3_w, lin3_b)

# --- scband reference (transcript-rebuilt; emitter-appended) ---
"""Pipeline reference for scband-sch-net-block-730144440877 (READ-ONLY COPY).

The authoritative reference and input builder live on the scoring server;
editing this copy changes nothing except your own understanding.
"""

import jax, jax.numpy as jnp
import numpy as np

N = 10000
E = 320000
D_IN = 128
HID = 128
D_OUT = 128
D_EDGE = 16


def shifted_softplus(x):
    return jax.nn.softplus(x) - jnp.log(2.0)


def setup_inputs(seed: int = 0) -> dict:
    key = jax.random.key(seed)
    ks = jax.random.split(key, 16)
    x = jax.random.normal(ks[0], (N, D_IN), dtype=jnp.float32)
    edge_index = jax.random.randint(ks[1], (2, E), 0, N, dtype=jnp.int64)
    edge_attr = jax.random.normal(ks[2], (E, D_EDGE), dtype=jnp.float32)
    s = 0.05
    lin1_w = jax.random.normal(ks[3], (HID, D_IN), dtype=jnp.float32) * s
    lin1_b = jax.random.normal(ks[4], (HID,), dtype=jnp.float32) * s
    cf1_w = jax.random.normal(ks[5], (HID, D_EDGE), dtype=jnp.float32) * s
    cf2_w = jax.random.normal(ks[6], (HID, HID), dtype=jnp.float32) * s
    cf2_b = jax.random.normal(ks[7], (HID,), dtype=jnp.float32) * s
    lin2_w = jax.random.normal(ks[8], (HID, HID), dtype=jnp.float32) * s
    lin2_b = jax.random.normal(ks[9], (HID,), dtype=jnp.float32) * s
    lin3_w = jax.random.normal(ks[10], (D_OUT, HID), dtype=jnp.float32) * s
    lin3_b = jax.random.normal(ks[11], (D_OUT,), dtype=jnp.float32) * s
    return {
        "x": x, "edge_index": edge_index, "edge_attr": edge_attr,
        "lin1_w": lin1_w, "lin1_b": lin1_b,
        "cf1_w": cf1_w, "cf2_w": cf2_w, "cf2_b": cf2_b,
        "lin2_w": lin2_w, "lin2_b": lin2_b,
        "lin3_w": lin3_w, "lin3_b": lin3_b,
    }


def reference(x, edge_index, edge_attr, lin1_w, lin1_b, cf1_w, cf2_w, cf2_b,
              lin2_w, lin2_b, lin3_w, lin3_b):
    src = edge_index[0]
    dst = edge_index[1]
    # v = lin1(x)
    v = x @ lin1_w.T + lin1_b
    # CFConv: filter-generating network on edge_attr
    W = shifted_softplus(edge_attr @ cf1_w.T)            # lin1 (no bias) + ssp
    W = shifted_softplus(W @ cf2_w.T + cf2_b)            # lin2 + ssp
    # message: x_j * W  (gather over source nodes)
    msg = jnp.take(v, src, axis=0) * W                   # [E, HID]
    # aggregate: sum over destination nodes (scatter-add)
    agg = jax.ops.segment_sum(msg, dst, num_segments=N)  # [N, HID]
    # post-conv MLP
    v = shifted_softplus(agg @ lin2_w.T + lin2_b)
    v = v @ lin3_w.T + lin3_b
    return x + v

if __name__ == "__main__":
    import jax
    _d = setup_inputs()
    print(jax.jit(kernel)(*tuple(_d.values())))

</pallas_src>

<mosaic_0001>
#map = affine_map<(d0, d1) -> (0, 0)>
#map1 = affine_map<(d0, d1) -> (0)>
#map2 = affine_map<(d0, d1) -> (0, 0, 0)>
module attributes {stable_mosaic.version = 14 : i64} {
  func.func @_sc_body(%arg0: i32, %arg1: i32, %arg2: memref<10000x128xf32, #tpu.memory_space<hbm>>, %arg3: memref<320000x128xf32, #tpu.memory_space<hbm>>, %arg4: memref<320000xi32, #tpu.memory_space<hbm>>, %arg5: memref<320000xi32, #tpu.memory_space<hbm>>, %arg6: memref<2x10240x128xf32, #tpu.memory_space<hbm>>, %arg7: memref<80xi32, #tpu.memory_space<vmem>>, %arg8: memref<80xi32, #tpu.memory_space<vmem>>, %arg9: memref<80xi32, #tpu.memory_space<vmem>>, %arg10: memref<80xi32, #tpu.memory_space<vmem>>, %arg11: memref<80xi32, #tpu.memory_space<vmem>>, %arg12: memref<80xi32, #tpu.memory_space<vmem>>, %arg13: memref<80xi32, #tpu.memory_space<vmem>>, %arg14: memref<80xi32, #tpu.memory_space<vmem>>, %arg15: memref<80x128xf32, #tpu.memory_space<vmem>>, %arg16: memref<80x128xf32, #tpu.memory_space<vmem>>, %arg17: memref<80x128xf32, #tpu.memory_space<vmem>>, %arg18: memref<80x128xf32, #tpu.memory_space<vmem>>, %arg19: memref<10240x128xf32, #tpu.memory_space<vmem_shared>>, %arg20: memref<!tpu.dma_semaphore, #tpu.memory_space<semaphore_mem>>, %arg21: memref<!tpu.dma_semaphore, #tpu.memory_space<semaphore_mem>>, %arg22: memref<!tpu.dma_semaphore, #tpu.memory_space<semaphore_mem>>, %arg23: memref<!tpu.dma_semaphore, #tpu.memory_space<semaphore_mem>>, %arg24: memref<!tpu.dma_semaphore, #tpu.memory_space<semaphore_mem>>, %arg25: memref<!tpu.dma_semaphore, #tpu.memory_space<semaphore_mem>>, %arg26: memref<!tpu.dma_semaphore, #tpu.memory_space<semaphore_mem>>, %arg27: memref<!tpu.dma_semaphore, #tpu.memory_space<semaphore_mem>>, %arg28: memref<!tpu.dma_semaphore, #tpu.memory_space<semaphore_mem>>, %arg29: memref<!tpu.dma_semaphore, #tpu.memory_space<semaphore_mem>>, %arg30: memref<!tpu.dma_semaphore, #tpu.memory_space<semaphore_mem>>, %arg31: memref<!tpu.dma_semaphore, #tpu.memory_space<semaphore_mem>>) attributes {dimension_semantics = [#tpu.dimension_semantics<core_parallel>, #tpu.dimension_semantics<subcore_parallel>], iteration_bounds = array<i64: 2, 16>, scalar_prefetch = 0 : i64, scratch_operands = 25 : i64, tpu.core_type = #tpu.core_type<sc_vector_subcore>, window_params = [{transform_indices = #map}, {transform_indices = #map}, {transform_indices = #map1}, {transform_indices = #map1}, {transform_indices = #map2}]} {
    %scan3A = arith.constant 0 : i32
    %scan3A_0 = arith.constant 0 : i32
    %scan3A_1 = arith.constant 80 : i32
    %scan3A_2 = arith.addi %scan3A_0, %scan3A_1 : i32
    %scan3A_3 = arith.constant 1 : i32
    %scan3A_4 = scf.for %scan3A_88 = %scan3A_0 to %scan3A_2 step %scan3A_3 iter_args(%scan3A_89 = %scan3A) -> (i32)  : i32 {
      %broadcast_in_dim3A = arith.constant 0.000000e+00 : f32
      %broadcast_in_dim3A_90 = vector.broadcast %broadcast_in_dim3A : f32 to vector<16xf32>
      %swap3A = arith.index_cast %scan3A_88 : i32 to index
      %swap3A_91 = arith.constant 0 : index
      %swap3A_92 = tpu.vector_load %arg15[%swap3A, %swap3A_91] {strides = array<i32>} : memref<80x128xf32, #tpu.memory_space<vmem>>, vector<1x16xf32>,
      %swap3A_93 = vector.shape_cast %swap3A_92 : vector<1x16xf32> to vector<16xf32>
      %swap3A_94 = vector.shape_cast %broadcast_in_dim3A_90 : vector<16xf32> to vector<1x16xf32>
      tpu.vector_store %arg15[%swap3A, %swap3A_91], %swap3A_94 {strides = array<i32>} : memref<80x128xf32, #tpu.memory_space<vmem>>, vector<1x16xf32>,
      %broadcast_in_dim3A_95 = arith.constant 0.000000e+00 : f32
      %broadcast_in_dim3A_96 = vector.broadcast %broadcast_in_dim3A_95 : f32 to vector<16xf32>
      %swap3A_97 = arith.index_cast %scan3A_88 : i32 to index
      %swap3A_98 = arith.constant 16 : index
      %swap3A_99 = tpu.vector_load %arg15[%swap3A_97, %swap3A_98] {strides = array<i32>} : memref<80x128xf32, #tpu.memory_space<vmem>>, vector<1x16xf32>,
      %swap3A_100 = vector.shape_cast %swap3A_99 : vector<1x16xf32> to vector<16xf32>
      %swap3A_101 = vector.shape_cast %broadcast_in_dim3A_96 : vector<16xf32> to vector<1x16xf32>
      tpu.vector_store %arg15[%swap3A_97, %swap3A_98], %swap3A_101 {strides = array<i32>} : memref<80x128xf32, #tpu.memory_space<vmem>>, vector<1x16xf32>,
      %broadcast_in_dim3A_102 = arith.constant 0.000000e+00 : f32
      %broadcast_in_dim3A_103 = vector.broadcast %broadcast_in_dim3A_102 : f32 to vector<16xf32>
      %swap3A_104 = arith.index_cast %scan3A_88 : i32 to index
      %swap3A_105 = arith.constant 32 : index
      %swap3A_106 = tpu.vector_load %arg15[%swap3A_104, %swap3A_105] {strides = array<i32>} : memref<80x128xf32, #tpu.memory_space<vmem>>, vector<1x16xf32>,
      %swap3A_107 = vector.shape_cast %swap3A_106 : vector<1x16xf32> to vector<16xf32>
      %swap3A_108 = vector.shape_cast %broadcast_in_dim3A_103 : vector<16xf32> to vector<1x16xf32>
      tpu.vector_store %arg15[%swap3A_104, %swap3A_105], %swap3A_108 {strides = array<i32>} : memref<80x128xf32, #tpu.memory_space<vmem>>, vector<1x16xf32>,
      %broadcast_in_dim3A_109 = arith.constant 0.000000e+00 : f32
      %broadcast_in_dim3A_110 = vector.broadcast %broadcast_in_dim3A_109 : f32 to vector<16xf32>
      %swap3A_111 = arith.index_cast %scan3A_88 : i32 to index
      %swap3A_112 = arith.constant 48 : index
      %swap3A_113 = tpu.vector_load %arg15[%swap3A_111, %swap3A_112] {strides = array<i32>} : memref<80x128xf32, #tpu.memory_space<vmem>>, vector<1x16xf32>,
      %swap3A_114 = vector.shape_cast %swap3A_113 : vector<1x16xf32> to vector<16xf32>
      %swap3A_115 = vector.shape_cast %broadcast_in_dim3A_110 : vector<16xf32> to vector<1x16xf32>
      tpu.vector_store %arg15[%swap3A_111, %swap3A_112], %swap3A_115 {strides = array<i32>} : memref<80x128xf32, #tpu.memory_space<vmem>>, vector<1x16xf32>,
      %broadcast_in_dim3A_116 = arith.constant 0.000000e+00 : f32
      %broadcast_in_dim3A_117 = vector.broadcast %broadcast_in_dim3A_116 : f32 to vector<16xf32>
      %swap3A_118 = arith.index_cast %scan3A_88 : i32 to index
      %swap3A_119 = arith.constant 64 : index
      %swap3A_120 = tpu.vector_load %arg15[%swap3A_118, %swap3A_119] {strides = array<i32>} : memref<80x128xf32, #tpu.memory_space<vmem>>, vector<1x16xf32>,
      %swap3A_121 = vector.shape_cast %swap3A_120 : vector<1x16xf32> to vector<16xf32>
      %swap3A_122 = vector.shape_cast %broadcast_in_dim3A_117 : vector<16xf32> to vector<1x16xf32>
      tpu.vector_store %arg15[%swap3A_118, %swap3A_119], %swap3A_122 {strides = array<i32>} : memref<80x128xf32, #tpu.memory_space<vmem>>, vector<1x16xf32>,
      %broadcast_in_dim3A_123 = arith.constant 0.000000e+00 : f32
      %broadcast_in_dim3A_124 = vector.broadcast %broadcast_in_dim3A_123 : f32 to vector<16xf32>
      %swap3A_125 = arith.index_cast %scan3A_88 : i32 to index
      %swap3A_126 = arith.constant 80 : index
      %swap3A_127 = tpu.vector_load %arg15[%swap3A_125, %swap3A_126] {strides = array<i32>} : memref<80x128xf32, #tpu.memory_space<vmem>>, vector<1x16xf32>,
      %swap3A_128 = vector.shape_cast %swap3A_127 : vector<1x16xf32> to vector<16xf32>
      %swap3A_129 = vector.shape_cast %broadcast_in_dim3A_124 : vector<16xf32> to vector<1x16xf32>
      tpu.vector_store %arg15[%swap3A_125, %swap3A_126], %swap3A_129 {strides = array<i32>} : memref<80x128xf32, #tpu.memory_space<vmem>>, vector<1x16xf32>,
      %broadcast_in_dim3A_130 = arith.constant 0.000000e+00 : f32
      %broadcast_in_dim3A_131 = vector.broadcast %broadcast_in_dim3A_130 : f32 to vector<16xf32>
      %swap3A_132 = arith.index_cast %scan3A_88 : i32 to index
      %swap3A_133 = arith.constant 96 : index
      %swap3A_134 = tpu.vector_load %arg15[%swap3A_132, %swap3A_133] {strides = array<i32>} : memref<80x128xf32, #tpu.memory_space<vmem>>, vector<1x16xf32>,
      %swap3A_135 = vector.shape_cast %swap3A_134 : vector<1x16xf32> to vector<16xf32>
      %swap3A_136 = vector.shape_cast %broadcast_in_dim3A_131 : vector<16xf32> to vector<1x16xf32>
      tpu.vector_store %arg15[%swap3A_132, %swap3A_133], %swap3A_136 {strides = array<i32>} : memref<80x128xf32, #tpu.memory_space<vmem>>, vector<1x16xf32>,
      %broadcast_in_dim3A_137 = arith.constant 0.000000e+00 : f32
      %broadcast_in_dim3A_138 = vector.broadcast %broadcast_in_dim3A_137 : f32 to vector<16xf32>
      %swap3A_139 = arith.index_cast %scan3A_88 : i32 to index
      %swap3A_140 = arith.constant 112 : index
      %swap3A_141 = tpu.vector_load %arg15[%swap3A_139, %swap3A_140] {strides = array<i32>} : memref<80x128xf32, #tpu.memory_space<vmem>>, vector<1x16xf32>,
      %swap3A_142 = vector.shape_cast %swap3A_141 : vector<1x16xf32> to vector<16xf32>
      %swap3A_143 = vector.shape_cast %broadcast_in_dim3A_138 : vector<16xf32> to vector<1x16xf32>
      tpu.vector_store %arg15[%swap3A_139, %swap3A_140], %swap3A_143 {strides = array<i32>} : memref<80x128xf32, #tpu.memory_space<vmem>>, vector<1x16xf32>,
      %scan3A_144 = arith.constant 0 : i32
      scf.yield %scan3A_144 : i32
    }
    %scan3A_5 = arith.constant 80 : i32
    %scan3A_6 = arith.constant 0 : i32
    %scan3A_7 = arith.constant 0 : i32
    %scan3A_8 = arith.constant 8 : i32
    %scan3A_9 = arith.addi %scan3A_7, %scan3A_8 : i32
    %scan3A_10 = arith.constant 1 : i32
    %scan3A_11 = scf.for %scan3A_88 = %scan3A_7 to %scan3A_9 step %scan3A_10 iter_args(%scan3A_89 = %scan3A_6) -> (i32)  : i32 {
      %mul3A_90 = arith.constant 640 : i32
      %mul3A_91 = arith.muli %arg1, %mul3A_90 : i32
      %mul3A_92 = arith.constant 80 : i32
      %mul3A_93 = arith.muli %scan3A_88, %mul3A_92 : i32
      %add3A_94 = arith.addi %mul3A_91, %mul3A_93 : i32
      "tpu.region"() ({
        %run_scoped3A = tpu.sem_alloc : memref<!tpu.dma_semaphore, #tpu.memory_space<semaphore_mem>>
        %dma_start3A_96 = arith.constant 0 : i32
        %dma_start3A_97 = tpu.memref_slice %arg19[%add3A_94, %dma_start3A_96] : memref<10240x128xf32, #tpu.memory_space<vmem_shared>> -> memref<80x128xf32, #tpu.memory_space<vmem_shared>>
        %dma_start3A_98 = arith.constant 0 : i32
        %dma_start3A_99 = tpu.memref_slice %arg19[%add3A_94, %dma_start3A_98] : memref<10240x128xf32, #tpu.memory_space<vmem_shared>> -> memref<80x128xf32, #tpu.memory_space<vmem_shared>>
        tpu.enqueue_dma source(%arg15 : memref<80x128xf32, #tpu.memory_space<vmem>>) target(%dma_start3A_99 : memref<80x128xf32, #tpu.memory_space<vmem_shared>>) target_semaphore(%run_scoped3A : memref<!tpu.dma_semaphore, #tpu.memory_space<semaphore_mem>>)
        %dma_wait3A_100 = arith.constant 0 : i32
        %dma_wait3A_101 = tpu.memref_slice %arg19[%add3A_94, %dma_wait3A_100] : memref<10240x128xf32, #tpu.memory_space<vmem_shared>> -> memref<80x128xf32, #tpu.memory_space<vmem_shared>>
        %dma_wait3A_102 = arith.constant 0 : i32
        %dma_wait3A_103 = tpu.memref_slice %arg19[%add3A_94, %dma_wait3A_102] : memref<10240x128xf32, #tpu.memory_space<vmem_shared>> -> memref<80x128xf32, #tpu.memory_space<vmem_shared>>
        tpu.wait_dma2 semaphore(%run_scoped3A : memref<!tpu.dma_semaphore, #tpu.memory_space<semaphore_mem>>) src(%arg15 : memref<80x128xf32, #tpu.memory_space<vmem>>) dst(%dma_wait3A_103 : memref<80x128xf32, #tpu.memory_space<vmem_shared>>)
        tpu.yield
      }) : () -> ()
      %scan3A_95 = arith.constant 0 : i32
      scf.yield %scan3A_95 : i32
    }
    %scan3A_12 = arith.constant 8 : i32
    %barrier3A = arith.constant 0 : index
    tpu.barrier barrier_id(%barrier3A)
    %mul3A = arith.constant 16 : i32
    %mul3A_13 = arith.muli %arg0, %mul3A : i32
    %add3A = arith.addi %mul3A_13, %arg1 : i32
    %mul3A_14 = arith.constant 10000 : i32
    %mul3A_15 = arith.muli %add3A, %mul3A_14 : i32
    %add3A_16 = arith.constant 0 : i32
    %add3A_17 = arith.addi %mul3A_15, %add3A_16 : i32
    %dma_start3A = tpu.memref_slice %arg4[%add3A_17] : memref<320000xi32, #tpu.memory_space<hbm>> -> memref<80xi32, #tpu.memory_space<hbm>>
    %dma_start3A_18 = tpu.memref_slice %arg4[%add3A_17] : memref<320000xi32, #tpu.memory_space<hbm>> -> memref<80xi32, #tpu.memory_space<hbm>>
    tpu.enqueue_dma source(%dma_start3A_18 : memref<80xi32, #tpu.memory_space<hbm>>) target(%arg7 : memref<80xi32, #tpu.memory_space<vmem>>) target_semaphore(%arg24 : memref<!tpu.dma_semaphore, #tpu.memory_space<semaphore_mem>>)
    %dma_start3A_19 = tpu.memref_slice %arg5[%add3A_17] : memref<320000xi32, #tpu.memory_space<hbm>> -> memref<80xi32, #tpu.memory_space<hbm>>
    %dma_start3A_20 = tpu.memref_slice %arg5[%add3A_17] : memref<320000xi32, #tpu.memory_space<hbm>> -> memref<80xi32, #tpu.memory_space<hbm>>
    tpu.enqueue_dma source(%dma_start3A_20 : memref<80xi32, #tpu.memory_space<hbm>>) target(%arg11 : memref<80xi32, #tpu.memory_space<vmem>>) target_semaphore(%arg28 : memref<!tpu.dma_semaphore, #tpu.memory_space<semaphore_mem>>)
    %add3A_21 = arith.constant 80 : i32
    %add3A_22 = arith.addi %mul3A_15, %add3A_21 : i32
    %dma_start3A_23 = tpu.memref_slice %arg4[%add3A_22] : memref<320000xi32, #tpu.memory_space<hbm>> -> memref<80xi32, #tpu.memory_space<hbm>>
    %dma_start3A_24 = tpu.memref_slice %arg4[%add3A_22] : memref<320000xi32, #tpu.memory_space<hbm>> -> memref<80xi32, #tpu.memory_space<hbm>>
    tpu.enqueue_dma source(%dma_start3A_24 : memref<80xi32, #tpu.memory_space<hbm>>) target(%arg8 : memref<80xi32, #tpu.memory_space<vmem>>) target_semaphore(%arg25 : memref<!tpu.dma_semaphore, #tpu.memory_space<semaphore_mem>>)
    %dma_start3A_25 = tpu.memref_slice %arg5[%add3A_22] : memref<320000xi32, #tpu.memory_space<hbm>> -> memref<80xi32, #tpu.memory_space<hbm>>
    %dma_start3A_26 = tpu.memref_slice %arg5[%add3A_22] : memref<320000xi32, #tpu.memory_space<hbm>> -> memref<80xi32, #tpu.memory_space<hbm>>
    tpu.enqueue_dma source(%dma_start3A_26 : memref<80xi32, #tpu.memory_space<hbm>>) target(%arg12 : memref<80xi32, #tpu.memory_space<vmem>>) target_semaphore(%arg29 : memref<!tpu.dma_semaphore, #tpu.memory_space<semaphore_mem>>)
    %add3A_27 = arith.constant 160 : i32
    %add3A_28 = arith.addi %mul3A_15, %add3A_27 : i32
    %dma_start3A_29 = tpu.memref_slice %arg4[%add3A_28] : memref<320000xi32, #tpu.memory_space<hbm>> -> memref<80xi32, #tpu.memory_space<hbm>>
    %dma_start3A_30 = tpu.memref_slice %arg4[%add3A_28] : memref<320000xi32, #tpu.memory_space<hbm>> -> memref<80xi32, #tpu.memory_space<hbm>>
    tpu.enqueue_dma source(%dma_start3A_30 : memref<80xi32, #tpu.memory_space<hbm>>) target(%arg9 : memref<80xi32, #tpu.memory_space<vmem>>) target_semaphore(%arg26 : memref<!tpu.dma_semaphore, #tpu.memory_space<semaphore_mem>>)
    %dma_start3A_31 = tpu.memref_slice %arg5[%add3A_28] : memref<320000xi32, #tpu.memory_space<hbm>> -> memref<80xi32, #tpu.memory_space<hbm>>
    %dma_start3A_32 = tpu.memref_slice %arg5[%add3A_28] : memref<320000xi32, #tpu.memory_space<hbm>> -> memref<80xi32, #tpu.memory_space<hbm>>
    tpu.enqueue_dma source(%dma_start3A_32 : memref<80xi32, #tpu.memory_space<hbm>>) target(%arg13 : memref<80xi32, #tpu.memory_space<vmem>>) target_semaphore(%arg30 : memref<!tpu.dma_semaphore, #tpu.memory_space<semaphore_mem>>)
    %add3A_33 = arith.constant 240 : i32
    %add3A_34 = arith.addi %mul3A_15, %add3A_33 : i32
    %dma_start3A_35 = tpu.memref_slice %arg4[%add3A_34] : memref<320000xi32, #tpu.memory_space<hbm>> -> memref<80xi32, #tpu.memory_space<hbm>>
    %dma_start3A_36 = tpu.memref_slice %arg4[%add3A_34] : memref<320000xi32, #tpu.memory_space<hbm>> -> memref<80xi32, #tpu.memory_space<hbm>>
    tpu.enqueue_dma source(%dma_start3A_36 : memref<80xi32, #tpu.memory_space<hbm>>) target(%arg10 : memref<80xi32, #tpu.memory_space<vmem>>) target_semaphore(%arg27 : memref<!tpu.dma_semaphore, #tpu.memory_space<semaphore_mem>>)
    %dma_start3A_37 = tpu.memref_slice %arg5[%add3A_34] : memref<320000xi32, #tpu.memory_space<hbm>> -> memref<80xi32, #tpu.memory_space<hbm>>
    %dma_start3A_38 = tpu.memref_slice %arg5[%add3A_34] : memref<320000xi32, #tpu.memory_space<hbm>> -> memref<80xi32, #tpu.memory_space<hbm>>
    tpu.enqueue_dma source(%dma_start3A_38 : memref<80xi32, #tpu.memory_space<hbm>>) target(%arg14 : memref<80xi32, #tpu.memory_space<vmem>>) target_semaphore(%arg31 : memref<!tpu.dma_semaphore, #tpu.memory_space<semaphore_mem>>)
    %add3A_39 = arith.constant 0 : i32
    %add3A_40 = arith.addi %mul3A_15, %add3A_39 : i32
    %dma_wait3A = tpu.memref_slice %arg4[%add3A_40] : memref<320000xi32, #tpu.memory_space<hbm>> -> memref<80xi32, #tpu.memory_space<hbm>>
    %dma_wait3A_41 = tpu.memref_slice %arg4[%add3A_40] : memref<320000xi32, #tpu.memory_space<hbm>> -> memref<80xi32, #tpu.memory_space<hbm>>
    tpu.wait_dma2 semaphore(%arg24 : memref<!tpu.dma_semaphore, #tpu.memory_space<semaphore_mem>>) src(%dma_wait3A_41 : memref<80xi32, #tpu.memory_space<hbm>>) dst(%arg7 : memref<80xi32, #tpu.memory_space<vmem>>)
    %dma_start3A_42 = arith.constant 0 : i32
    %dma_start3A_43 = tpu.memref_slice %arg3[%add3A_40, %dma_start3A_42] : memref<320000x128xf32, #tpu.memory_space<hbm>> -> memref<80x128xf32, #tpu.memory_space<hbm>>
    %dma_start3A_44 = arith.constant 0 : i32
    %dma_start3A_45 = tpu.memref_slice %arg3[%add3A_40, %dma_start3A_44] : memref<320000x128xf32, #tpu.memory_space<hbm>> -> memref<80x128xf32, #tpu.memory_space<hbm>>
    tpu.enqueue_dma source(%dma_start3A_45 : memref<80x128xf32, #tpu.memory_space<hbm>>) target(%arg17 : memref<80x128xf32, #tpu.memory_space<vmem>>) target_semaphore(%arg22 : memref<!tpu.dma_semaphore, #tpu.memory_space<semaphore_mem>>)
    %dma_start3A_46 = arith.constant 0 : i32
    %dma_start3A_47 = arith.constant 0 : i32
    %dma_start3A_48 = tpu.memref_slice %arg2[%dma_start3A_46, %dma_start3A_47] : memref<10000x128xf32, #tpu.memory_space<hbm>> -> memref<10000x128xf32, #tpu.memory_space<hbm>>
    tpu.enqueue_indirect_dma source(%dma_start3A_48 : memref<10000x128xf32, #tpu.memory_space<hbm>>) target(%arg15 : memref<80x128xf32, #tpu.memory_space<vmem>>) offsets(%arg7 : memref<80xi32, #tpu.memory_space<vmem>>) semaphore(%arg20 : memref<!tpu.dma_semaphore, #tpu.memory_space<semaphore_mem>>)
    %add3A_49 = arith.constant 80 : i32
    %add3A_50 = arith.addi %mul3A_15, %add3A_49 : i32
    %dma_wait3A_51 = tpu.memref_slice %arg4[%add3A_50] : memref<320000xi32, #tpu.memory_space<hbm>> -> memref<80xi32, #tpu.memory_space<hbm>>
    %dma_wait3A_52 = tpu.memref_slice %arg4[%add3A_50] : memref<320000xi32, #tpu.memory_space<hbm>> -> memref<80xi32, #tpu.memory_space<hbm>>
    tpu.wait_dma2 semaphore(%arg25 : memref<!tpu.dma_semaphore, #tpu.memory_space<semaphore_mem>>) src(%dma_wait3A_52 : memref<80xi32, #tpu.memory_space<hbm>>) dst(%arg8 : memref<80xi32, #tpu.memory_space<vmem>>)
    %dma_start3A_53 = arith.constant 0 : i32
    %dma_start3A_54 = tpu.memref_slice %arg3[%add3A_50, %dma_start3A_53] : memref<320000x128xf32, #tpu.memory_space<hbm>> -> memref<80x128xf32, #tpu.memory_space<hbm>>
    %dma_start3A_55 = arith.constant 0 : i32
    %dma_start3A_56 = tpu.memref_slice %arg3[%add3A_50, %dma_start3A_55] : memref<320000x128xf32, #tpu.memory_space<hbm>> -> memref<80x128xf32, #tpu.memory_space<hbm>>
    tpu.enqueue_dma source(%dma_start3A_56 : memref<80x128xf32, #tpu.memory_space<hbm>>) target(%arg18 : memref<80x128xf32, #tpu.memory_space<vmem>>) target_semaphore(%arg23 : memref<!tpu.dma_semaphore, #tpu.memory_space<semaphore_mem>>)
    %dma_start3A_57 = arith.constant 0 : i32
    %dma_start3A_58 = arith.constant 0 : i32
    %dma_start3A_59 = tpu.memref_slice %arg2[%dma_start3A_57, %dma_start3A_58] : memref<10000x128xf32, #tpu.memory_space<hbm>> -> memref<10000x128xf32, #tpu.memory_space<hbm>>
    tpu.enqueue_indirect_dma source(%dma_start3A_59 : memref<10000x128xf32, #tpu.memory_space<hbm>>) target(%arg16 : memref<80x128xf32, #tpu.memory_space<vmem>>) offsets(%arg8 : memref<80xi32, #tpu.memory_space<vmem>>) semaphore(%arg21 : memref<!tpu.dma_semaphore, #tpu.memory_space<semaphore_mem>>)
    %scan3A_60 = arith.constant 0 : i32
    %scan3A_61 = arith.constant 0 : i32
    %scan3A_62 = arith.constant 31 : i32
    %scan3A_63 = arith.addi %scan3A_61, %scan3A_62 : i32
    %scan3A_64 = arith.constant 1 : i32
    %scan3A_65 = scf.for %scan3A_88 = %scan3A_61 to %scan3A_63 step %scan3A_64 iter_args(%scan3A_89 = %scan3A_60) -> (i32)  : i32 {
      %mul3A_90 = arith.constant 4 : i32
      %mul3A_91 = arith.muli %mul3A_90, %scan3A_88 : i32
      %add3A_92 = arith.constant 0 : i32
      %add3A_93 = arith.addi %mul3A_91, %add3A_92 : i32
      %mul3A_94 = arith.constant 80 : i32
      %mul3A_95 = arith.muli %add3A_93, %mul3A_94 : i32
      %add3A_96 = arith.addi %mul3A_15, %mul3A_95 : i32
      %dma_wait3A_97 = arith.constant 0 : i32
      %dma_wait3A_98 = tpu.memref_slice %arg3[%add3A_96, %dma_wait3A_97] : memref<320000x128xf32, #tpu.memory_space<hbm>> -> memref<80x128xf32, #tpu.memory_space<hbm>>
      %dma_wait3A_99 = arith.constant 0 : i32
      %dma_wait3A_100 = tpu.memref_slice %arg3[%add3A_96, %dma_wait3A_99] : memref<320000x128xf32, #tpu.memory_space<hbm>> -> memref<80x128xf32, #tpu.memory_space<hbm>>
      tpu.wait_dma2 semaphore(%arg22 : memref<!tpu.dma_semaphore, #tpu.memory_space<semaphore_mem>>) src(%dma_wait3A_100 : memref<80x128xf32, #tpu.memory_space<hbm>>) dst(%arg17 : memref<80x128xf32, #tpu.memory_space<vmem>>)
      %dma_wait3A_101 = arith.constant 0 : i32
      %dma_wait3A_102 = arith.constant 0 : i32
      %dma_wait3A_103 = tpu.memref_slice %arg2[%dma_wait3A_101, %dma_wait3A_102] : memref<10000x128xf32, #tpu.memory_space<hbm>> -> memref<10000x128xf32, #tpu.memory_space<hbm>>
      tpu.wait_indirect_dma semaphore(%arg20 : memref<!tpu.dma_semaphore, #tpu.memory_space<semaphore_mem>>) src(%dma_wait3A_103 : memref<10000x128xf32, #tpu.memory_space<hbm>>) dst(%arg15 : memref<80x128xf32, #tpu.memory_space<vmem>>)
      %parallel_loop3A_104 = arith.constant 0 : i32
      %parallel_loop3A_105 = arith.constant 80 : i32
      %parallel_loop3A_106 = arith.constant 1 : i32
      scf.for %parallel_loop3A_220 = %parallel_loop3A_104 to %parallel_loop3A_105 step %parallel_loop3A_106  : i32 {
        %parallel_loop3A_221 = arith.index_cast %parallel_loop3A_220 : i32 to index
        %parallel_loop3A_222 = arith.constant 0 : index
        %parallel_loop3A_223 = tpu.vector_load %arg15[%parallel_loop3A_221, %parallel_loop3A_222] {strides = array<i32>} : memref<80x128xf32, #tpu.memory_space<vmem>>, vector<1x16xf32>,
        %parallel_loop3A_224 = vector.shape_cast %parallel_loop3A_223 : vector<1x16xf32> to vector<16xf32>
        %parallel_loop3A_225 = arith.index_cast %parallel_loop3A_220 : i32 to index
        %parallel_loop3A_226 = arith.constant 0 : index
        %parallel_loop3A_227 = tpu.vector_load %arg17[%parallel_loop3A_225, %parallel_loop3A_226] {strides = array<i32>} : memref<80x128xf32, #tpu.memory_space<vmem>>, vector<1x16xf32>,
        %parallel_loop3A_228 = vector.shape_cast %parallel_loop3A_227 : vector<1x16xf32> to vector<16xf32>
        %parallel_loop3A_229 = arith.mulf %parallel_loop3A_224, %parallel_loop3A_228 : vector<16xf32>
        %parallel_loop3A_230 = arith.index_cast %parallel_loop3A_220 : i32 to index
        %parallel_loop3A_231 = arith.constant 0 : index
        %parallel_loop3A_232 = tpu.vector_load %arg15[%parallel_loop3A_230, %parallel_loop3A_231] {strides = array<i32>} : memref<80x128xf32, #tpu.memory_space<vmem>>, vector<1x16xf32>,
        %parallel_loop3A_233 = vector.shape_cast %parallel_loop3A_232 : vector<1x16xf32> to vector<16xf32>
        %parallel_loop3A_234 = vector.shape_cast %parallel_loop3A_229 : vector<16xf32> to vector<1x16xf32>
        tpu.vector_store %arg15[%parallel_loop3A_230, %parallel_loop3A_231], %parallel_loop3A_234 {strides = array<i32>} : memref<80x128xf32, #tpu.memory_space<vmem>>, vector<1x16xf32>,
        %parallel_loop3A_235 = arith.index_cast %parallel_loop3A_220 : i32 to index
        %parallel_loop3A_236 = arith.constant 16 : index
        %parallel_loop3A_237 = tpu.vector_load %arg15[%parallel_loop3A_235, %parallel_loop3A_236] {strides = array<i32>} : memref<80x128xf32, #tpu.memory_space<vmem>>, vector<1x16xf32>,
        %parallel_loop3A_238 = vector.shape_cast %parallel_loop3A_237 : vector<1x16xf32> to vector<16xf32>
        %parallel_loop3A_239 = arith.index_cast %parallel_loop3A_220 : i32 to index
        %parallel_loop3A_240 = arith.constant 16 : index
        %parallel_loop3A_241 = tpu.vector_load %arg17[%parallel_loop3A_239, %parallel_loop3A_240] {strides = array<i32>} : memref<80x128xf32, #tpu.memory_space<vmem>>, vector<1x16xf32>,
        %parallel_loop3A_242 = vector.shape_cast %parallel_loop3A_241 : vector<1x16xf32> to vector<16xf32>
        %parallel_loop3A_243 = arith.mulf %parallel_loop3A_238, %parallel_loop3A_242 : vector<16xf32>
        %parallel_loop3A_244 = arith.index_cast %parallel_loop3A_220 : i32 to index
        %parallel_loop3A_245 = arith.constant 16 : index
        %parallel_loop3A_246 = tpu.vector_load %arg15[%parallel_loop3A_244, %parallel_loop3A_245] {strides = array<i32>} : memref<80x128xf32, #tpu.memory_space<vmem>>, vector<1x16xf32>,
        %parallel_loop3A_247 = vector.shape_cast %parallel_loop3A_246 : vector<1x16xf32> to vector<16xf32>
        %parallel_loop3A_248 = vector.shape_cast %parallel_loop3A_243 : vector<16xf32> to vector<1x16xf32>
        tpu.vector_store %arg15[%parallel_loop3A_244, %parallel_loop3A_245], %parallel_loop3A_248 {strides = array<i32>} : memref<80x128xf32, #tpu.memory_space<vmem>>, vector<1x16xf32>,
        %parallel_loop3A_249 = arith.index_cast %parallel_loop3A_220 : i32 to index
        %parallel_loop3A_250 = arith.constant 32 : index
        %parallel_loop3A_251 = tpu.vector_load %arg15[%parallel_loop3A_249, %parallel_loop3A_250] {strides = array<i32>} : memref<80x128xf32, #tpu.memory_space<vmem>>, vector<1x16xf32>,
        %parallel_loop3A_252 = vector.shape_cast %parallel_loop3A_251 : vector<1x16xf32> to vector<16xf32>
        %parallel_loop3A_253 = arith.index_cast %parallel_loop3A_220 : i32 to index
        %parallel_loop3A_254 = arith.constant 32 : index
        %parallel_loop3A_255 = tpu.vector_load %arg17[%parallel_loop3A_253, %parallel_loop3A_254] {strides = array<i32>} : memref<80x128xf32, #tpu.memory_space<vmem>>, vector<1x16xf32>,
        %parallel_loop3A_256 = vector.shape_cast %parallel_loop3A_255 : vector<1x16xf32> to vector<16xf32>
        %parallel_loop3A_257 = arith.mulf %parallel_loop3A_252, %parallel_loop3A_256 : vector<16xf32>
        %parallel_loop3A_258 = arith.index_cast %parallel_loop3A_220 : i32 to index
        %parallel_loop3A_259 = arith.constant 32 : index
        %parallel_loop3A_260 = tpu.vector_load %arg15[%parallel_loop3A_258, %parallel_loop3A_259] {strides = array<i32>} : memref<80x128xf32, #tpu.memory_space<vmem>>, vector<1x16xf32>,
        %parallel_loop3A_261 = vector.shape_cast %parallel_loop3A_260 : vector<1x16xf32> to vector<16xf32>
        %parallel_loop3A_262 = vector.shape_cast %parallel_loop3A_257 : vector<16xf32> to vector<1x16xf32>
        tpu.vector_store %arg15[%parallel_loop3A_258, %parallel_loop3A_259], %parallel_loop3A_262 {strides = array<i32>} : memref<80x128xf32, #tpu.memory_space<vmem>>, vector<1x16xf32>,
        %parallel_loop3A_263 = arith.index_cast %parallel_loop3A_220 : i32 to index
        %parallel_loop3A_264 = arith.constant 48 : index
        %parallel_loop3A_265 = tpu.vector_load %arg15[%parallel_loop3A_263, %parallel_loop3A_264] {strides = array<i32>} : memref<80x128xf32, #tpu.memory_space<vmem>>, vector<1x16xf32>,
        %parallel_loop3A_266 = vector.shape_cast %parallel_loop3A_265 : vector<1x16xf32> to vector<16xf32>
        %parallel_loop3A_267 = arith.index_cast %parallel_loop3A_220 : i32 to index
        %parallel_loop3A_268 = arith.constant 48 : index
        %parallel_loop3A_269 = tpu.vector_load %arg17[%parallel_loop3A_267, %parallel_loop3A_268] {strides = array<i32>} : memref<80x128xf32, #tpu.memory_space<vmem>>, vector<1x16xf32>,
        %parallel_loop3A_270 = vector.shape_cast %parallel_loop3A_269 : vector<1x16xf32> to vector<16xf32>
        %parallel_loop3A_271 = arith.mulf %parallel_loop3A_266, %parallel_loop3A_270 : vector<16xf32>
        %parallel_loop3A_272 = arith.index_cast %parallel_loop3A_220 : i32 to index
        %parallel_loop3A_273 = arith.constant 48 : index
        %parallel_loop3A_274 = tpu.vector_load %arg15[%parallel_loop3A_272, %parallel_loop3A_273] {strides = array<i32>} : memref<80x128xf32, #tpu.memory_space<vmem>>, vector<1x16xf32>,
        %parallel_loop3A_275 = vector.shape_cast %parallel_loop3A_274 : vector<1x16xf32> to vector<16xf32>
        %parallel_loop3A_276 = vector.shape_cast %parallel_loop3A_271 : vector<16xf32> to vector<1x16xf32>
        tpu.vector_store %arg15[%parallel_loop3A_272, %parallel_loop3A_273], %parallel_loop3A_276 {strides = array<i32>} : memref<80x128xf32, #tpu.memory_space<vmem>>, vector<1x16xf32>,
        %parallel_loop3A_277 = arith.index_cast %parallel_loop3A_220 : i32 to index
        %parallel_loop3A_278 = arith.constant 64 : index
        %parallel_loop3A_279 = tpu.vector_load %arg15[%parallel_loop3A_277, %parallel_loop3A_278] {strides = array<i32>} : memref<80x128xf32, #tpu.memory_space<vmem>>, vector<1x16xf32>,
        %parallel_loop3A_280 = vector.shape_cast %parallel_loop3A_279 : vector<1x16xf32> to vector<16xf32>
        %parallel_loop3A_281 = arith.index_cast %parallel_loop3A_220 : i32 to index
        %parallel_loop3A_282 = arith.constant 64 : index
        %parallel_loop3A_283 = tpu.vector_load %arg17[%parallel_loop3A_281, %parallel_loop3A_282] {strides = array<i32>} : memref<80x128xf32, #tpu.memory_space<vmem>>, vector<1x16xf32>,
        %parallel_loop3A_284 = vector.shape_cast %parallel_loop3A_283 : vector<1x16xf32> to vector<16xf32>
        %parallel_loop3A_285 = arith.mulf %parallel_loop3A_280, %parallel_loop3A_284 : vector<16xf32>
        %parallel_loop3A_286 = arith.index_cast %parallel_loop3A_220 : i32 to index
        %parallel_loop3A_287 = arith.constant 64 : index
        %parallel_loop3A_288 = tpu.vector_load %arg15[%parallel_loop3A_286, %parallel_loop3A_287] {strides = array<i32>} : memref<80x128xf32, #tpu.memory_space<vmem>>, vector<1x16xf32>,
        %parallel_loop3A_289 = vector.shape_cast %parallel_loop3A_288 : vector<1x16xf32> to vector<16xf32>
        %parallel_loop3A_290 = vector.shape_cast %parallel_loop3A_285 : vector<16xf32> to vector<1x16xf32>
        tpu.vector_store %arg15[%parallel_loop3A_286, %parallel_loop3A_287], %parallel_loop3A_290 {strides = array<i32>} : memref<80x128xf32, #tpu.memory_space<vmem>>, vector<1x16xf32>,
        %parallel_loop3A_291 = arith.index_cast %parallel_loop3A_220 : i32 to index
        %parallel_loop3A_292 = arith.constant 80 : index
        %parallel_loop3A_293 = tpu.vector_load %arg15[%parallel_loop3A_291, %parallel_loop3A_292] {strides = array<i32>} : memref<80x128xf32, #tpu.memory_space<vmem>>, vector<1x16xf32>,
        %parallel_loop3A_294 = vector.shape_cast %parallel_loop3A_293 : vector<1x16xf32> to vector<16xf32>
        %parallel_loop3A_295 = arith.index_cast %parallel_loop3A_220 : i32 to index
        %parallel_loop3A_296 = arith.constant 80 : index
        %parallel_loop3A_297 = tpu.vector_load %arg17[%parallel_loop3A_295, %parallel_loop3A_296] {strides = array<i32>} : memref<80x128xf32, #tpu.memory_space<vmem>>, vector<1x16xf32>,
        %parallel_loop3A_298 = vector.shape_cast %parallel_loop3A_297 : vector<1x16xf32> to vector<16xf32>
        %parallel_loop3A_299 = arith.mulf %parallel_loop3A_294, %parallel_loop3A_298 : vector<16xf32>
        %parallel_loop3A_300 = arith.index_cast %parallel_loop3A_220 : i32 to index
        %parallel_loop3A_301 = arith.constant 80 : index
        %parallel_loop3A_302 = tpu.vector_load %arg15[%parallel_loop3A_300, %parallel_loop3A_301] {strides = array<i32>} : memref<80x128xf32, #tpu.memory_space<vmem>>, vector<1x16xf32>,
        %parallel_loop3A_303 = vector.shape_cast %parallel_loop3A_302 : vector<1x16xf32> to vector<16xf32>
        %parallel_loop3A_304 = vector.shape_cast %parallel_loop3A_299 : vector<16xf32> to vector<1x16xf32>
        tpu.vector_store %arg15[%parallel_loop3A_300, %parallel_loop3A_301], %parallel_loop3A_304 {strides = array<i32>} : memref<80x128xf32, #tpu.memory_space<vmem>>, vector<1x16xf32>,
        %parallel_loop3A_305 = arith.index_cast %parallel_loop3A_220 : i32 to index
        %parallel_loop3A_306 = arith.constant 96 : index
        %parallel_loop3A_307 = tpu.vector_load %arg15[%parallel_loop3A_305, %parallel_loop3A_306] {strides = array<i32>} : memref<80x128xf32, #tpu.memory_space<vmem>>, vector<1x16xf32>,
        %parallel_loop3A_308 = vector.shape_cast %parallel_loop3A_307 : vector<1x16xf32> to vector<16xf32>
        %parallel_loop3A_309 = arith.index_cast %parallel_loop3A_220 : i32 to index
        %parallel_loop3A_310 = arith.constant 96 : index
        %parallel_loop3A_311 = tpu.vector_load %arg17[%parallel_loop3A_309, %parallel_loop3A_310] {strides = array<i32>} : memref<80x128xf32, #tpu.memory_space<vmem>>, vector<1x16xf32>,
        %parallel_loop3A_312 = vector.shape_cast %parallel_loop3A_311 : vector<1x16xf32> to vector<16xf32>
        %parallel_loop3A_313 = arith.mulf %parallel_loop3A_308, %parallel_loop3A_312 : vector<16xf32>
        %parallel_loop3A_314 = arith.index_cast %parallel_loop3A_220 : i32 to index
        %parallel_loop3A_315 = arith.constant 96 : index
        %parallel_loop3A_316 = tpu.vector_load %arg15[%parallel_loop3A_314, %parallel_loop3A_315] {strides = array<i32>} : memref<80x128xf32, #tpu.memory_space<vmem>>, vector<1x16xf32>,
        %parallel_loop3A_317 = vector.shape_cast %parallel_loop3A_316 : vector<1x16xf32> to vector<16xf32>
        %parallel_loop3A_318 = vector.shape_cast %parallel_loop3A_313 : vector<16xf32> to vector<1x16xf32>
        tpu.vector_store %arg15[%parallel_loop3A_314, %parallel_loop3A_315], %parallel_loop3A_318 {strides = array<i32>} : memref<80x128xf32, #tpu.memory_space<vmem>>, vector<1x16xf32>,
        %parallel_loop3A_319 = arith.index_cast %parallel_loop3A_220 : i32 to index
        %parallel_loop3A_320 = arith.constant 112 : index
        %parallel_loop3A_321 = tpu.vector_load %arg15[%parallel_loop3A_319, %parallel_loop3A_320] {strides = array<i32>} : memref<80x128xf32, #tpu.memory_space<vmem>>, vector<1x16xf32>,
        %parallel_loop3A_322 = vector.shape_cast %parallel_loop3A_321 : vector<1x16xf32> to vector<16xf32>
        %parallel_loop3A_323 = arith.index_cast %parallel_loop3A_220 : i32 to index
        %parallel_loop3A_324 = arith.constant 112 : index
        %parallel_loop3A_325 = tpu.vector_load %arg17[%parallel_loop3A_323, %parallel_loop3A_324] {strides = array<i32>} : memref<80x128xf32, #tpu.memory_space<vmem>>, vector<1x16xf32>,
        %parallel_loop3A_326 = vector.shape_cast %parallel_loop3A_325 : vector<1x16xf32> to vector<16xf32>
        %parallel_loop3A_327 = arith.mulf %parallel_loop3A_322, %parallel_loop3A_326 : vector<16xf32>
        %parallel_loop3A_328 = arith.index_cast %parallel_loop3A_220 : i32 to index
        %parallel_loop3A_329 = arith.constant 112 : index
        %parallel_loop3A_330 = tpu.vector_load %arg15[%parallel_loop3A_328, %parallel_loop3A_329] {strides = array<i32>} : memref<80x128xf32, #tpu.memory_space<vmem>>, vector<1x16xf32>,
        %parallel_loop3A_331 = vector.shape_cast %parallel_loop3A_330 : vector<1x16xf32> to vector<16xf32>
        %parallel_loop3A_332 = vector.shape_cast %parallel_loop3A_327 : vector<16xf32> to vector<1x16xf32>
        tpu.vector_store %arg15[%parallel_loop3A_328, %parallel_loop3A_329], %parallel_loop3A_332 {strides = array<i32>} : memref<80x128xf32, #tpu.memory_space<vmem>>, vector<1x16xf32>,
      } {sc.loop_unroll_factor = 1 : i64, sc.parallel_access}
      %dma_wait3A_107 = tpu.memref_slice %arg5[%add3A_96] : memref<320000xi32, #tpu.memory_space<hbm>> -> memref<80xi32, #tpu.memory_space<hbm>>
      %dma_wait3A_108 = tpu.memref_slice %arg5[%add3A_96] : memref<320000xi32, #tpu.memory_space<hbm>> -> memref<80xi32, #tpu.memory_space<hbm>>
      tpu.wait_dma2 semaphore(%arg28 : memref<!tpu.dma_semaphore, #tpu.memory_space<semaphore_mem>>) src(%dma_wait3A_108 : memref<80xi32, #tpu.memory_space<hbm>>) dst(%arg11 : memref<80xi32, #tpu.memory_space<vmem>>)
      "tpu.region"() ({
        %run_scoped3A = tpu.sem_alloc : memref<!tpu.dma_semaphore, #tpu.memory_space<semaphore_mem>>
        %dma_start3A_220 = arith.constant 0 : i32
        %dma_start3A_221 = arith.constant 0 : i32
        %dma_start3A_222 = tpu.memref_slice %arg19[%dma_start3A_220, %dma_start3A_221] : memref<10240x128xf32, #tpu.memory_space<vmem_shared>> -> memref<10240x128xf32, #tpu.memory_space<vmem_shared>>
        tpu.enqueue_indirect_dma source(%arg15 : memref<80x128xf32, #tpu.memory_space<vmem>>) target(%dma_start3A_222 : memref<10240x128xf32, #tpu.memory_space<vmem_shared>>) offsets(%arg11 : memref<80xi32, #tpu.memory_space<vmem>>) semaphore(%run_scoped3A : memref<!tpu.dma_semaphore, #tpu.memory_space<semaphore_mem>>) {add = true}
        %dma_wait3A_223 = arith.constant 0 : i32
        %dma_wait3A_224 = arith.constant 0 : i32
        %dma_wait3A_225 = tpu.memref_slice %arg19[%dma_wait3A_223, %dma_wait3A_224] : memref<10240x128xf32, #tpu.memory_space<vmem_shared>> -> memref<10240x128xf32, #tpu.memory_space<vmem_shared>>
        tpu.wait_indirect_dma semaphore(%run_scoped3A : memref<!tpu.dma_semaphore, #tpu.memory_space<semaphore_mem>>) src(%arg15 : memref<80x128xf32, #tpu.memory_space<vmem>>) dst(%dma_wait3A_225 : memref<10240x128xf32, #tpu.memory_space<vmem_shared>>)
        tpu.yield
      }) : () -> ()
      %add3A_109 = arith.constant 4 : i32
      %add3A_110 = arith.addi %add3A_93, %add3A_109 : i32
      %lt3A = arith.constant 125 : i32
      %lt3A_111 = arith.cmpi slt, %add3A_110, %lt3A : i32
      %convert_element_type3A = arith.extui %lt3A_111 : i1 to i32
      %cond3A = arith.constant 0 : i32
      %cond3A_112 = arith.cmpi ne, %convert_element_type3A, %cond3A : i32
      scf.if %cond3A_112 {
        %add3A_220 = arith.constant 320 : i32
        %add3A_221 = arith.addi %add3A_96, %add3A_220 : i32
        %dma_start3A_222 = tpu.memref_slice %arg4[%add3A_221] : memref<320000xi32, #tpu.memory_space<hbm>> -> memref<80xi32, #tpu.memory_space<hbm>>
        %dma_start3A_223 = tpu.memref_slice %arg4[%add3A_221] : memref<320000xi32, #tpu.memory_space<hbm>> -> memref<80xi32, #tpu.memory_space<hbm>>
        tpu.enqueue_dma source(%dma_start3A_223 : memref<80xi32, #tpu.memory_space<hbm>>) target(%arg7 : memref<80xi32, #tpu.memory_space<vmem>>) target_semaphore(%arg24 : memref<!tpu.dma_semaphore, #tpu.memory_space<semaphore_mem>>)
        %dma_start3A_224 = tpu.memref_slice %arg5[%add3A_221] : memref<320000xi32, #tpu.memory_space<hbm>> -> memref<80xi32, #tpu.memory_space<hbm>>
        %dma_start3A_225 = tpu.memref_slice %arg5[%add3A_221] : memref<320000xi32, #tpu.memory_space<hbm>> -> memref<80xi32, #tpu.memory_space<hbm>>
        tpu.enqueue_dma source(%dma_start3A_225 : memref<80xi32, #tpu.memory_space<hbm>>) target(%arg11 : memref<80xi32, #tpu.memory_space<vmem>>) target_semaphore(%arg28 : memref<!tpu.dma_semaphore, #tpu.memory_space<semaphore_mem>>)
      } else {
      }
      %add3A_113 = arith.constant 2 : i32
      %add3A_114 = arith.addi %add3A_93, %add3A_113 : i32
      %lt3A_115 = arith.constant 125 : i32
      %lt3A_116 = arith.cmpi slt, %add3A_114, %lt3A_115 : i32
      %convert_element_type3A_117 = arith.extui %lt3A_116 : i1 to i32
      %cond3A_118 = arith.constant 0 : i32
      %cond3A_119 = arith.cmpi ne, %convert_element_type3A_117, %cond3A_118 : i32
      scf.if %cond3A_119 {
        %add3A_220 = arith.constant 160 : i32
        %add3A_221 = arith.addi %add3A_96, %add3A_220 : i32
        %dma_wait3A_222 = tpu.memref_slice %arg4[%add3A_221] : memref<320000xi32, #tpu.memory_space<hbm>> -> memref<80xi32, #tpu.memory_space<hbm>>
        %dma_wait3A_223 = tpu.memref_slice %arg4[%add3A_221] : memref<320000xi32, #tpu.memory_space<hbm>> -> memref<80xi32, #tpu.memory_space<hbm>>
        tpu.wait_dma2 semaphore(%arg26 : memref<!tpu.dma_semaphore, #tpu.memory_space<semaphore_mem>>) src(%dma_wait3A_223 : memref<80xi32, #tpu.memory_space<hbm>>) dst(%arg9 : memref<80xi32, #tpu.memory_space<vmem>>)
        %dma_start3A_224 = arith.constant 0 : i32
        %dma_start3A_225 = tpu.memref_slice %arg3[%add3A_221, %dma_start3A_224] : memref<320000x128xf32, #tpu.memory_space<hbm>> -> memref<80x128xf32, #tpu.memory_space<hbm>>
        %dma_start3A_226 = arith.constant 0 : i32
        %dma_start3A_227 = tpu.memref_slice %arg3[%add3A_221, %dma_start3A_226] : memref<320000x128xf32, #tpu.memory_space<hbm>> -> memref<80x128xf32, #tpu.memory_space<hbm>>
        tpu.enqueue_dma source(%dma_start3A_227 : memref<80x128xf32, #tpu.memory_space<hbm>>) target(%arg17 : memref<80x128xf32, #tpu.memory_space<vmem>>) target_semaphore(%arg22 : memref<!tpu.dma_semaphore, #tpu.memory_space<semaphore_mem>>)
        %dma_start3A_228 = arith.constant 0 : i32
        %dma_start3A_229 = arith.constant 0 : i32
        %dma_start3A_230 = tpu.memref_slice %arg2[%dma_start3A_228, %dma_start3A_229] : memref<10000x128xf32, #tpu.memory_space<hbm>> -> memref<10000x128xf32, #tpu.memory_space<hbm>>
        tpu.enqueue_indirect_dma source(%dma_start3A_230 : memref<10000x128xf32, #tpu.memory_space<hbm>>) target(%arg15 : memref<80x128xf32, #tpu.memory_space<vmem>>) offsets(%arg9 : memref<80xi32, #tpu.memory_space<vmem>>) semaphore(%arg20 : memref<!tpu.dma_semaphore, #tpu.memory_space<semaphore_mem>>)
      } else {
      }
      %mul3A_120 = arith.constant 4 : i32
      %mul3A_121 = arith.muli %mul3A_120, %scan3A_88 : i32
      %add3A_122 = arith.constant 1 : i32
      %add3A_123 = arith.addi %mul3A_121, %add3A_122 : i32
      %mul3A_124 = arith.constant 80 : i32
      %mul3A_125 = arith.muli %add3A_123, %mul3A_124 : i32
      %add3A_126 = arith.addi %mul3A_15, %mul3A_125 : i32
      %dma_wait3A_127 = arith.constant 0 : i32
      %dma_wait3A_128 = tpu.memref_slice %arg3[%add3A_126, %dma_wait3A_127] : memref<320000x128xf32, #tpu.memory_space<hbm>> -> memref<80x128xf32, #tpu.memory_space<hbm>>
      %dma_wait3A_129 = arith.constant 0 : i32
      %dma_wait3A_130 = tpu.memref_slice %arg3[%add3A_126, %dma_wait3A_129] : memref<320000x128xf32, #tpu.memory_space<hbm>> -> memref<80x128xf32, #tpu.memory_space<hbm>>
      tpu.wait_dma2 semaphore(%arg23 : memref<!tpu.dma_semaphore, #tpu.memory_space<semaphore_mem>>) src(%dma_wait3A_130 : memref<80x128xf32, #tpu.memory_space<hbm>>) dst(%arg18 : memref<80x128xf32, #tpu.memory_space<vmem>>)
      %dma_wait3A_131 = arith.constant 0 : i32
      %dma_wait3A_132 = arith.constant 0 : i32
      %dma_wait3A_133 = tpu.memref_slice %arg2[%dma_wait3A_131, %dma_wait3A_132] : memref<10000x128xf32, #tpu.memory_space<hbm>> -> memref<10000x128xf32, #tpu.memory_space<hbm>>
      tpu.wait_indirect_dma semaphore(%arg21 : memref<!tpu.dma_semaphore, #tpu.memory_space<semaphore_mem>>) src(%dma_wait3A_133 : memref<10000x128xf32, #tpu.memory_space<hbm>>) dst(%arg16 : memref<80x128xf32, #tpu.memory_space<vmem>>)
      %parallel_loop3A_134 = arith.constant 0 : i32
      %parallel_loop3A_135 = arith.constant 80 : i32
      %parallel_loop3A_136 = arith.constant 1 : i32
      scf.for %parallel_loop3A_220 = %parallel_loop3A_134 to %parallel_loop3A_135 step %parallel_loop3A_136  : i32 {
        %parallel_loop3A_221 = arith.index_cast %parallel_loop3A_220 : i32 to index
        %parallel_loop3A_222 = arith.constant 0 : index
        %parallel_loop3A_223 = tpu.vector_load %arg16[%parallel_loop3A_221, %parallel_loop3A_222] {strides = array<i32>} : memref<80x128xf32, #tpu.memory_space<vmem>>, vector<1x16xf32>,
        %parallel_loop3A_224 = vector.shape_cast %parallel_loop3A_223 : vector<1x16xf32> to vector<16xf32>
        %parallel_loop3A_225 = arith.index_cast %parallel_loop3A_220 : i32 to index
        %parallel_loop3A_226 = arith.constant 0 : index
        %parallel_loop3A_227 = tpu.vector_load %arg18[%parallel_loop3A_225, %parallel_loop3A_226] {strides = array<i32>} : memref<80x128xf32, #tpu.memory_space<vmem>>, vector<1x16xf32>,
        %parallel_loop3A_228 = vector.shape_cast %parallel_loop3A_227 : vector<1x16xf32> to vector<16xf32>
        %parallel_loop3A_229 = arith.mulf %parallel_loop3A_224, %parallel_loop3A_228 : vector<16xf32>
        %parallel_loop3A_230 = arith.index_cast %parallel_loop3A_220 : i32 to index
        %parallel_loop3A_231 = arith.constant 0 : index
        %parallel_loop3A_232 = tpu.vector_load %arg16[%parallel_loop3A_230, %parallel_loop3A_231] {strides = array<i32>} : memref<80x128xf32, #tpu.memory_space<vmem>>, vector<1x16xf32>,
        %parallel_loop3A_233 = vector.shape_cast %parallel_loop3A_232 : vector<1x16xf32> to vector<16xf32>
        %parallel_loop3A_234 = vector.shape_cast %parallel_loop3A_229 : vector<16xf32> to vector<1x16xf32>
        tpu.vector_store %arg16[%parallel_loop3A_230, %parallel_loop3A_231], %parallel_loop3A_234 {strides = array<i32>} : memref<80x128xf32, #tpu.memory_space<vmem>>, vector<1x16xf32>,
        %parallel_loop3A_235 = arith.index_cast %parallel_loop3A_220 : i32 to index
        %parallel_loop3A_236 = arith.constant 16 : index
        %parallel_loop3A_237 = tpu.vector_load %arg16[%parallel_loop3A_235, %parallel_loop3A_236] {strides = array<i32>} : memref<80x128xf32, #tpu.memory_space<vmem>>, vector<1x16xf32>,
        %parallel_loop3A_238 = vector.shape_cast %parallel_loop3A_237 : vector<1x16xf32> to vector<16xf32>
        %parallel_loop3A_239 = arith.index_cast %parallel_loop3A_220 : i32 to index
        %parallel_loop3A_240 = arith.constant 16 : index
        %parallel_loop3A_241 = tpu.vector_load %arg18[%parallel_loop3A_239, %parallel_loop3A_240] {strides = array<i32>} : memref<80x128xf32, #tpu.memory_space<vmem>>, vector<1x16xf32>,
        %parallel_loop3A_242 = vector.shape_cast %parallel_loop3A_241 : vector<1x16xf32> to vector<16xf32>
        %parallel_loop3A_243 = arith.mulf %parallel_loop3A_238, %parallel_loop3A_242 : vector<16xf32>
        %parallel_loop3A_244 = arith.index_cast %parallel_loop3A_220 : i32 to index
        %parallel_loop3A_245 = arith.constant 16 : index
        %parallel_loop3A_246 = tpu.vector_load %arg16[%parallel_loop3A_244, %parallel_loop3A_245] {strides = array<i32>} : memref<80x128xf32, #tpu.memory_space<vmem>>, vector<1x16xf32>,
        %parallel_loop3A_247 = vector.shape_cast %parallel_loop3A_246 : vector<1x16xf32> to vector<16xf32>
        %parallel_loop3A_248 = vector.shape_cast %parallel_loop3A_243 : vector<16xf32> to vector<1x16xf32>
        tpu.vector_store %arg16[%parallel_loop3A_244, %parallel_loop3A_245], %parallel_loop3A_248 {strides = array<i32>} : memref<80x128xf32, #tpu.memory_space<vmem>>, vector<1x16xf32>,
        %parallel_loop3A_249 = arith.index_cast %parallel_loop3A_220 : i32 to index
        %parallel_loop3A_250 = arith.constant 32 : index
        %parallel_loop3A_251 = tpu.vector_load %arg16[%parallel_loop3A_249, %parallel_loop3A_250] {strides = array<i32>} : memref<80x128xf32, #tpu.memory_space<vmem>>, vector<1x16xf32>,
        %parallel_loop3A_252 = vector.shape_cast %parallel_loop3A_251 : vector<1x16xf32> to vector<16xf32>
        %parallel_loop3A_253 = arith.index_cast %parallel_loop3A_220 : i32 to index
        %parallel_loop3A_254 = arith.constant 32 : index
        %parallel_loop3A_255 = tpu.vector_load %arg18[%parallel_loop3A_253, %parallel_loop3A_254] {strides = array<i32>} : memref<80x128xf32, #tpu.memory_space<vmem>>, vector<1x16xf32>,
        %parallel_loop3A_256 = vector.shape_cast %parallel_loop3A_255 : vector<1x16xf32> to vector<16xf32>
        %parallel_loop3A_257 = arith.mulf %parallel_loop3A_252, %parallel_loop3A_256 : vector<16xf32>
        %parallel_loop3A_258 = arith.index_cast %parallel_loop3A_220 : i32 to index
        %parallel_loop3A_259 = arith.constant 32 : index
        %parallel_loop3A_260 = tpu.vector_load %arg16[%parallel_loop3A_258, %parallel_loop3A_259] {strides = array<i32>} : memref<80x128xf32, #tpu.memory_space<vmem>>, vector<1x16xf32>,
        %parallel_loop3A_261 = vector.shape_cast %parallel_loop3A_260 : vector<1x16xf32> to vector<16xf32>
        %parallel_loop3A_262 = vector.shape_cast %parallel_loop3A_257 : vector<16xf32> to vector<1x16xf32>
        tpu.vector_store %arg16[%parallel_loop3A_258, %parallel_loop3A_259], %parallel_loop3A_262 {strides = array<i32>} : memref<80x128xf32, #tpu.memory_space<vmem>>, vector<1x16xf32>,
        %parallel_loop3A_263 = arith.index_cast %parallel_loop3A_220 : i32 to index
        %parallel_loop3A_264 = arith.constant 48 : index
        %parallel_loop3A_265 = tpu.vector_load %arg16[%parallel_loop3A_263, %parallel_loop3A_264] {strides = array<i32>} : memref<80x128xf32, #tpu.memory_space<vmem>>, vector<1x16xf32>,
        %parallel_loop3A_266 = vector.shape_cast %parallel_loop3A_265 : vector<1x16xf32> to vector<16xf32>
        %parallel_loop3A_267 = arith.index_cast %parallel_loop3A_220 : i32 to index
        %parallel_loop3A_268 = arith.constant 48 : index
        %parallel_loop3A_269 = tpu.vector_load %arg18[%parallel_loop3A_267, %parallel_loop3A_268] {strides = array<i32>} : memref<80x128xf32, #tpu.memory_space<vmem>>, vector<1x16xf32>,
        %parallel_loop3A_270 = vector.shape_cast %parallel_loop3A_269 : vector<1x16xf32> to vector<16xf32>
        %parallel_loop3A_271 = arith.mulf %parallel_loop3A_266, %parallel_loop3A_270 : vector<16xf32>
        %parallel_loop3A_272 = arith.index_cast %parallel_loop3A_220 : i32 to index
        %parallel_loop3A_273 = arith.constant 48 : index
        %parallel_loop3A_274 = tpu.vector_load %arg16[%parallel_loop3A_272, %parallel_loop3A_273] {strides = array<i32>} : memref<80x128xf32, #tpu.memory_space<vmem>>, vector<1x16xf32>,
        %parallel_loop3A_275 = vector.shape_cast %parallel_loop3A_274 : vector<1x16xf32> to vector<16xf32>
        %parallel_loop3A_276 = vector.shape_cast %parallel_loop3A_271 : vector<16xf32> to vector<1x16xf32>
        tpu.vector_store %arg16[%parallel_loop3A_272, %parallel_loop3A_273], %parallel_loop3A_276 {strides = array<i32>} : memref<80x128xf32, #tpu.memory_space<vmem>>, vector<1x16xf32>,
        %parallel_loop3A_277 = arith.index_cast %parallel_loop3A_220 : i32 to index
        %parallel_loop3A_278 = arith.constant 64 : index
        %parallel_loop3A_279 = tpu.vector_load %arg16[%parallel_loop3A_277, %parallel_loop3A_278] {strides = array<i32>} : memref<80x128xf32, #tpu.memory_space<vmem>>, vector<1x16xf32>,
        %parallel_loop3A_280 = vector.shape_cast %parallel_loop3A_279 : vector<1x16xf32> to vector<16xf32>
        %parallel_loop3A_281 = arith.index_cast %parallel_loop3A_220 : i32 to index
        %parallel_loop3A_282 = arith.constant 64 : index
        %parallel_loop3A_283 = tpu.vector_load %arg18[%parallel_loop3A_281, %parallel_loop3A_282] {strides = array<i32>} : memref<80x128xf32, #tpu.memory_space<vmem>>, vector<1x16xf32>,
        %parallel_loop3A_284 = vector.shape_cast %parallel_loop3A_283 : vector<1x16xf32> to vector<16xf32>
        %parallel_loop3A_285 = arith.mulf %parallel_loop3A_280, %parallel_loop3A_284 : vector<16xf32>
        %parallel_loop3A_286 = arith.index_cast %parallel_loop3A_220 : i32 to index
        %parallel_loop3A_287 = arith.constant 64 : index
        %parallel_loop3A_288 = tpu.vector_load %arg16[%parallel_loop3A_286, %parallel_loop3A_287] {strides = array<i32>} : memref<80x128xf32, #tpu.memory_space<vmem>>, vector<1x16xf32>,
        %parallel_loop3A_289 = vector.shape_cast %parallel_loop3A_288 : vector<1x16xf32> to vector<16xf32>
        %parallel_loop3A_290 = vector.shape_cast %parallel_loop3A_285 : vector<16xf32> to vector<1x16xf32>
        tpu.vector_store %arg16[%parallel_loop3A_286, %parallel_loop3A_287], %parallel_loop3A_290 {strides = array<i32>} : memref<80x128xf32, #tpu.memory_space<vmem>>, vector<1x16xf32>,
        %parallel_loop3A_291 = arith.index_cast %parallel_loop3A_220 : i32 to index
        %parallel_loop3A_292 = arith.constant 80 : index
        %parallel_loop3A_293 = tpu.vector_load %arg16[%parallel_loop3A_291, %parallel_loop3A_292] {strides = array<i32>} : memref<80x128xf32, #tpu.memory_space<vmem>>, vector<1x16xf32>,
        %parallel_loop3A_294 = vector.shape_cast %parallel_loop3A_293 : vector<1x16xf32> to vector<16xf32>
        %parallel_loop3A_295 = arith.index_cast %parallel_loop3A_220 : i32 to index
        %parallel_loop3A_296 = arith.constant 80 : index
        %parallel_loop3A_297 = tpu.vector_load %arg18[%parallel_loop3A_295, %parallel_loop3A_296] {strides = array<i32>} : memref<80x128xf32, #tpu.memory_space<vmem>>, vector<1x16xf32>,
        %parallel_loop3A_298 = vector.shape_cast %parallel_loop3A_297 : vector<1x16xf32> to vector<16xf32>
        %parallel_loop3A_299 = arith.mulf %parallel_loop3A_294, %parallel_loop3A_298 : vector<16xf32>
        %parallel_loop3A_300 = arith.index_cast %parallel_loop3A_220 : i32 to index
        %parallel_loop3A_301 = arith.constant 80 : index
        %parallel_loop3A_302 = tpu.vector_load %arg16[%parallel_loop3A_300, %parallel_loop3A_301] {strides = array<i32>} : memref<80x128xf32, #tpu.memory_space<vmem>>, vector<1x16xf32>,
        %parallel_loop3A_303 = vector.shape_cast %parallel_loop3A_302 : vector<1x16xf32> to vector<16xf32>
        %parallel_loop3A_304 = vector.shape_cast %parallel_loop3A_299 : vector<16xf32> to vector<1x16xf32>
        tpu.vector_store %arg16[%parallel_loop3A_300, %parallel_loop3A_301], %parallel_loop3A_304 {strides = array<i32>} : memref<80x128xf32, #tpu.memory_space<vmem>>, vector<1x16xf32>,
        %parallel_loop3A_305 = arith.index_cast %parallel_loop3A_220 : i32 to index
        %parallel_loop3A_306 = arith.constant 96 : index
        %parallel_loop3A_307 = tpu.vector_load %arg16[%parallel_loop3A_305, %parallel_loop3A_306] {strides = array<i32>} : memref<80x128xf32, #tpu.memory_space<vmem>>, vector<1x16xf32>,
        %parallel_loop3A_308 = vector.shape_cast %parallel_loop3A_307 : vector<1x16xf32> to vector<16xf32>
        %parallel_loop3A_309 = arith.index_cast %parallel_loop3A_220 : i32 to index
        %parallel_loop3A_310 = arith.constant 96 : index
        %parallel_loop3A_311 = tpu.vector_load %arg18[%parallel_loop3A_309, %parallel_loop3A_310] {strides = array<i32>} : memref<80x128xf32, #tpu.memory_space<vmem>>, vector<1x16xf32>,
        %parallel_loop3A_312 = vector.shape_cast %parallel_loop3A_311 : vector<1x16xf32> to vector<16xf32>
        %parallel_loop3A_313 = arith.mulf %parallel_loop3A_308, %parallel_loop3A_312 : vector<16xf32>
        %parallel_loop3A_314 = arith.index_cast %parallel_loop3A_220 : i32 to index
        %parallel_loop3A_315 = arith.constant 96 : index
        %parallel_loop3A_316 = tpu.vector_load %arg16[%parallel_loop3A_314, %parallel_loop3A_315] {strides = array<i32>} : memref<80x128xf32, #tpu.memory_space<vmem>>, vector<1x16xf32>,
        %parallel_loop3A_317 = vector.shape_cast %parallel_loop3A_316 : vector<1x16xf32> to vector<16xf32>
        %parallel_loop3A_318 = vector.shape_cast %parallel_loop3A_313 : vector<16xf32> to vector<1x16xf32>
        tpu.vector_store %arg16[%parallel_loop3A_314, %parallel_loop3A_315], %parallel_loop3A_318 {strides = array<i32>} : memref<80x128xf32, #tpu.memory_space<vmem>>, vector<1x16xf32>,
        %parallel_loop3A_319 = arith.index_cast %parallel_loop3A_220 : i32 to index
        %parallel_loop3A_320 = arith.constant 112 : index
        %parallel_loop3A_321 = tpu.vector_load %arg16[%parallel_loop3A_319, %parallel_loop3A_320] {strides = array<i32>} : memref<80x128xf32, #tpu.memory_space<vmem>>, vector<1x16xf32>,
        %parallel_loop3A_322 = vector.shape_cast %parallel_loop3A_321 : vector<1x16xf32> to vector<16xf32>
        %parallel_loop3A_323 = arith.index_cast %parallel_loop3A_220 : i32 to index
        %parallel_loop3A_324 = arith.constant 112 : index
        %parallel_loop3A_325 = tpu.vector_load %arg18[%parallel_loop3A_323, %parallel_loop3A_324] {strides = array<i32>} : memref<80x128xf32, #tpu.memory_space<vmem>>, vector<1x16xf32>,
        %parallel_loop3A_326 = vector.shape_cast %parallel_loop3A_325 : vector<1x16xf32> to vector<16xf32>
        %parallel_loop3A_327 = arith.mulf %parallel_loop3A_322, %parallel_loop3A_326 : vector<16xf32>
        %parallel_loop3A_328 = arith.index_cast %parallel_loop3A_220 : i32 to index
        %parallel_loop3A_329 = arith.constant 112 : index
        %parallel_loop3A_330 = tpu.vector_load %arg16[%parallel_loop3A_328, %parallel_loop3A_329] {strides = array<i32>} : memref<80x128xf32, #tpu.memory_space<vmem>>, vector<1x16xf32>,
        %parallel_loop3A_331 = vector.shape_cast %parallel_loop3A_330 : vector<1x16xf32> to vector<16xf32>
        %parallel_loop3A_332 = vector.shape_cast %parallel_loop3A_327 : vector<16xf32> to vector<1x16xf32>
        tpu.vector_store %arg16[%parallel_loop3A_328, %parallel_loop3A_329], %parallel_loop3A_332 {strides = array<i32>} : memref<80x128xf32, #tpu.memory_space<vmem>>, vector<1x16xf32>,
      } {sc.loop_unroll_factor = 1 : i64, sc.parallel_access}
      %dma_wait3A_137 = tpu.memref_slice %arg5[%add3A_126] : memref<320000xi32, #tpu.memory_space<hbm>> -> memref<80xi32, #tpu.memory_space<hbm>>
      %dma_wait3A_138 = tpu.memref_slice %arg5[%add3A_126] : memref<320000xi32, #tpu.memory_space<hbm>> -> memref<80xi32, #tpu.memory_space<hbm>>
      tpu.wait_dma2 semaphore(%arg29 : memref<!tpu.dma_semaphore, #tpu.memory_space<semaphore_mem>>) src(%dma_wait3A_138 : memref<80xi32, #tpu.memory_space<hbm>>) dst(%arg12 : memref<80xi32, #tpu.memory_space<vmem>>)
      "tpu.region"() ({
        %run_scoped3A = tpu.sem_alloc : memref<!tpu.dma_semaphore, #tpu.memory_space<semaphore_mem>>
        %dma_start3A_220 = arith.constant 0 : i32
        %dma_start3A_221 = arith.constant 0 : i32
        %dma_start3A_222 = tpu.memref_slice %arg19[%dma_start3A_220, %dma_start3A_221] : memref<10240x128xf32, #tpu.memory_space<vmem_shared>> -> memref<10240x128xf32, #tpu.memory_space<vmem_shared>>
        tpu.enqueue_indirect_dma source(%arg16 : memref<80x128xf32, #tpu.memory_space<vmem>>) target(%dma_start3A_222 : memref<10240x128xf32, #tpu.memory_space<vmem_shared>>) offsets(%arg12 : memref<80xi32, #tpu.memory_space<vmem>>) semaphore(%run_scoped3A : memref<!tpu.dma_semaphore, #tpu.memory_space<semaphore_mem>>) {add = true}
        %dma_wait3A_223 = arith.constant 0 : i32
        %dma_wait3A_224 = arith.constant 0 : i32
        %dma_wait3A_225 = tpu.memref_slice %arg19[%dma_wait3A_223, %dma_wait3A_224] : memref<10240x128xf32, #tpu.memory_space<vmem_shared>> -> memref<10240x128xf32, #tpu.memory_space<vmem_shared>>
        tpu.wait_indirect_dma semaphore(%run_scoped3A : memref<!tpu.dma_semaphore, #tpu.memory_space<semaphore_mem>>) src(%arg16 : memref<80x128xf32, #tpu.memory_space<vmem>>) dst(%dma_wait3A_225 : memref<10240x128xf32, #tpu.memory_space<vmem_shared>>)
        tpu.yield
      }) : () -> ()
      %add3A_139 = arith.constant 4 : i32
      %add3A_140 = arith.addi %add3A_123, %add3A_139 : i32
      %lt3A_141 = arith.constant 125 : i32
      %lt3A_142 = arith.cmpi slt, %add3A_140, %lt3A_141 : i32
      %convert_element_type3A_143 = arith.extui %lt3A_142 : i1 to i32
      %cond3A_144 = arith.constant 0 : i32
      %cond3A_145 = arith.cmpi ne, %convert_element_type3A_143, %cond3A_144 : i32
      scf.if %cond3A_145 {
        %add3A_220 = arith.constant 320 : i32
        %add3A_221 = arith.addi %add3A_126, %add3A_220 : i32
        %dma_start3A_222 = tpu.memref_slice %arg4[%add3A_221] : memref<320000xi32, #tpu.memory_space<hbm>> -> memref<80xi32, #tpu.memory_space<hbm>>
        %dma_start3A_223 = tpu.memref_slice %arg4[%add3A_221] : memref<320000xi32, #tpu.memory_space<hbm>> -> memref<80xi32, #tpu.memory_space<hbm>>
        tpu.enqueue_dma source(%dma_start3A_223 : memref<80xi32, #tpu.memory_space<hbm>>) target(%arg8 : memref<80xi32, #tpu.memory_space<vmem>>) target_semaphore(%arg25 : memref<!tpu.dma_semaphore, #tpu.memory_space<semaphore_mem>>)
        %dma_start3A_224 = tpu.memref_slice %arg5[%add3A_221] : memref<320000xi32, #tpu.memory_space<hbm>> -> memref<80xi32, #tpu.memory_space<hbm>>
        %dma_start3A_225 = tpu.memref_slice %arg5[%add3A_221] : memref<320000xi32, #tpu.memory_space<hbm>> -> memref<80xi32, #tpu.memory_space<hbm>>
        tpu.enqueue_dma source(%dma_start3A_225 : memref<80xi32, #tpu.memory_space<hbm>>) target(%arg12 : memref<80xi32, #tpu.memory_space<vmem>>) target_semaphore(%arg29 : memref<!tpu.dma_semaphore, #tpu.memory_space<semaphore_mem>>)
      } else {
      }
      %add3A_146 = arith.constant 2 : i32
      %add3A_147 = arith.addi %add3A_123, %add3A_146 : i32
      %lt3A_148 = arith.constant 125 : i32
      %lt3A_149 = arith.cmpi slt, %add3A_147, %lt3A_148 : i32
      %convert_element_type3A_150 = arith.extui %lt3A_149 : i1 to i32
      %cond3A_151 = arith.constant 0 : i32
      %cond3A_152 = arith.cmpi ne, %convert_element_type3A_150, %cond3A_151 : i32
      scf.if %cond3A_152 {
        %add3A_220 = arith.constant 160 : i32
        %add3A_221 = arith.addi %add3A_126, %add3A_220 : i32
        %dma_wait3A_222 = tpu.memref_slice %arg4[%add3A_221] : memref<320000xi32, #tpu.memory_space<hbm>> -> memref<80xi32, #tpu.memory_space<hbm>>
        %dma_wait3A_223 = tpu.memref_slice %arg4[%add3A_221] : memref<320000xi32, #tpu.memory_space<hbm>> -> memref<80xi32, #tpu.memory_space<hbm>>
        tpu.wait_dma2 semaphore(%arg27 : memref<!tpu.dma_semaphore, #tpu.memory_space<semaphore_mem>>) src(%dma_wait3A_223 : memref<80xi32, #tpu.memory_space<hbm>>) dst(%arg10 : memref<80xi32, #tpu.memory_space<vmem>>)
        %dma_start3A_224 = arith.constant 0 : i32
        %dma_start3A_225 = tpu.memref_slice %arg3[%add3A_221, %dma_start3A_224] : memref<320000x128xf32, #tpu.memory_space<hbm>> -> memref<80x128xf32, #tpu.memory_space<hbm>>
        %dma_start3A_226 = arith.constant 0 : i32
        %dma_start3A_227 = tpu.memref_slice %arg3[%add3A_221, %dma_start3A_226] : memref<320000x128xf32, #tpu.memory_space<hbm>> -> memref<80x128xf32, #tpu.memory_space<hbm>>
        tpu.enqueue_dma source(%dma_start3A_227 : memref<80x128xf32, #tpu.memory_space<hbm>>) target(%arg18 : memref<80x128xf32, #tpu.memory_space<vmem>>) target_semaphore(%arg23 : memref<!tpu.dma_semaphore, #tpu.memory_space<semaphore_mem>>)
        %dma_start3A_228 = arith.constant 0 : i32
        %dma_start3A_229 = arith.constant 0 : i32
        %dma_start3A_230 = tpu.memref_slice %arg2[%dma_start3A_228, %dma_start3A_229] : memref<10000x128xf32, #tpu.memory_space<hbm>> -> memref<10000x128xf32, #tpu.memory_space<hbm>>
        tpu.enqueue_indirect_dma source(%dma_start3A_230 : memref<10000x128xf32, #tpu.memory_space<hbm>>) target(%arg16 : memref<80x128xf32, #tpu.memory_space<vmem>>) offsets(%arg10 : memref<80xi32, #tpu.memory_space<vmem>>) semaphore(%arg21 : memref<!tpu.dma_semaphore, #tpu.memory_space<semaphore_mem>>)
      } else {
      }
      %mul3A_153 = arith.constant 4 : i32
      %mul3A_154 = arith.muli %mul3A_153, %scan3A_88 : i32
      %add3A_155 = arith.constant 2 : i32
      %add3A_156 = arith.addi %mul3A_154, %add3A_155 : i32
      %mul3A_157 = arith.constant 80 : i32
      %mul3A_158 = arith.muli %add3A_156, %mul3A_157 : i32
      %add3A_159 = arith.addi %mul3A_15, %mul3A_158 : i32
      %dma_wait3A_160 = arith.constant 0 : i32
      %dma_wait3A_161 = tpu.memref_slice %arg3[%add3A_159, %dma_wait3A_160] : memref<320000x128xf32, #tpu.memory_space<hbm>> -> memref<80x128xf32, #tpu.memory_space<hbm>>
      %dma_wait3A_162 = arith.constant 0 : i32
      %dma_wait3A_163 = tpu.memref_slice %arg3[%add3A_159, %dma_wait3A_162] : memref<320000x128xf32, #tpu.memory_space<hbm>> -> memref<80x128xf32, #tpu.memory_space<hbm>>
      tpu.wait_dma2 semaphore(%arg22 : memref<!tpu.dma_semaphore, #tpu.memory_space<semaphore_mem>>) src(%dma_wait3A_163 : memref<80x128xf32, #tpu.memory_space<hbm>>) dst(%arg17 : memref<80x128xf32, #tpu.memory_space<vmem>>)
      %dma_wait3A_164 = arith.constant 0 : i32
      %dma_wait3A_165 = arith.constant 0 : i32
      %dma_wait3A_166 = tpu.memref_slice %arg2[%dma_wait3A_164, %dma_wait3A_165] : memref<10000x128xf32, #tpu.memory_space<hbm>> -> memref<10000x128xf32, #tpu.memory_space<hbm>>
      tpu.wait_indirect_dma semaphore(%arg20 : memref<!tpu.dma_semaphore, #tpu.memory_space<semaphore_mem>>) src(%dma_wait3A_166 : memref<10000x128xf32, #tpu.memory_space<hbm>>) dst(%arg15 : memref<80x128xf32, #tpu.memory_space<vmem>>)
      %parallel_loop3A_167 = arith.constant 0 : i32
      %parallel_loop3A_168 = arith.constant 80 : i32
      %parallel_loop3A_169 = arith.constant 1 : i32
      scf.for %parallel_loop3A_220 = %parallel_loop3A_167 to %parallel_loop3A_168 step %parallel_loop3A_169  : i32 {
        %parallel_loop3A_221 = arith.index_cast %parallel_loop3A_220 : i32 to index
        %parallel_loop3A_222 = arith.constant 0 : index
        %parallel_loop3A_223 = tpu.vector_load %arg15[%parallel_loop3A_221, %parallel_loop3A_222] {strides = array<i32>} : memref<80x128xf32, #tpu.memory_space<vmem>>, vector<1x16xf32>,
        %parallel_loop3A_224 = vector.shape_cast %parallel_loop3A_223 : vector<1x16xf32> to vector<16xf32>
        %parallel_loop3A_225 = arith.index_cast %parallel_loop3A_220 : i32 to index
        %parallel_loop3A_226 = arith.constant 0 : index
        %parallel_loop3A_227 = tpu.vector_load %arg17[%parallel_loop3A_225, %parallel_loop3A_226] {strides = array<i32>} : memref<80x128xf32, #tpu.memory_space<vmem>>, vector<1x16xf32>,
        %parallel_loop3A_228 = vector.shape_cast %parallel_loop3A_227 : vector<1x16xf32> to vector<16xf32>
        %parallel_loop3A_229 = arith.mulf %parallel_loop3A_224, %parallel_loop3A_228 : vector<16xf32>
        %parallel_loop3A_230 = arith.index_cast %parallel_loop3A_220 : i32 to index
        %parallel_loop3A_231 = arith.constant 0 : index
        %parallel_loop3A_232 = tpu.vector_load %arg15[%parallel_loop3A_230, %parallel_loop3A_231] {strides = array<i32>} : memref<80x128xf32, #tpu.memory_space<vmem>>, vector<1x16xf32>,
        %parallel_loop3A_233 = vector.shape_cast %parallel_loop3A_232 : vector<1x16xf32> to vector<16xf32>
        %parallel_loop3A_234 = vector.shape_cast %parallel_loop3A_229 : vector<16xf32> to vector<1x16xf32>
        tpu.vector_store %arg15[%parallel_loop3A_230, %parallel_loop3A_231], %parallel_loop3A_234 {strides = array<i32>} : memref<80x128xf32, #tpu.memory_space<vmem>>, vector<1x16xf32>,
        %parallel_loop3A_235 = arith.index_cast %parallel_loop3A_220 : i32 to index
        %parallel_loop3A_236 = arith.constant 16 : index
        %parallel_loop3A_237 = tpu.vector_load %arg15[%parallel_loop3A_235, %parallel_loop3A_236] {strides = array<i32>} : memref<80x128xf32, #tpu.memory_space<vmem>>, vector<1x16xf32>,
        %parallel_loop3A_238 = vector.shape_cast %parallel_loop3A_237 : vector<1x16xf32> to vector<16xf32>
        %parallel_loop3A_239 = arith.index_cast %parallel_loop3A_220 : i32 to index
        %parallel_loop3A_240 = arith.constant 16 : index
        %parallel_loop3A_241 = tpu.vector_load %arg17[%parallel_loop3A_239, %parallel_loop3A_240] {strides = array<i32>} : memref<80x128xf32, #tpu.memory_space<vmem>>, vector<1x16xf32>,
        %parallel_loop3A_242 = vector.shape_cast %parallel_loop3A_241 : vector<1x16xf32> to vector<16xf32>
        %parallel_loop3A_243 = arith.mulf %parallel_loop3A_238, %parallel_loop3A_242 : vector<16xf32>
        %parallel_loop3A_244 = arith.index_cast %parallel_loop3A_220 : i32 to index
        %parallel_loop3A_245 = arith.constant 16 : index
        %parallel_loop3A_246 = tpu.vector_load %arg15[%parallel_loop3A_244, %parallel_loop3A_245] {strides = array<i32>} : memref<80x128xf32, #tpu.memory_space<vmem>>, vector<1x16xf32>,
        %parallel_loop3A_247 = vector.shape_cast %parallel_loop3A_246 : vector<1x16xf32> to vector<16xf32>
        %parallel_loop3A_248 = vector.shape_cast %parallel_loop3A_243 : vector<16xf32> to vector<1x16xf32>
        tpu.vector_store %arg15[%parallel_loop3A_244, %parallel_loop3A_245], %parallel_loop3A_248 {strides = array<i32>} : memref<80x128xf32, #tpu.memory_space<vmem>>, vector<1x16xf32>,
        %parallel_loop3A_249 = arith.index_cast %parallel_loop3A_220 : i32 to index
        %parallel_loop3A_250 = arith.constant 32 : index
        %parallel_loop3A_251 = tpu.vector_load %arg15[%parallel_loop3A_249, %parallel_loop3A_250] {strides = array<i32>} : memref<80x128xf32, #tpu.memory_space<vmem>>, vector<1x16xf32>,
        %parallel_loop3A_252 = vector.shape_cast %parallel_loop3A_251 : vector<1x16xf32> to vector<16xf32>
        %parallel_loop3A_253 = arith.index_cast %parallel_loop3A_220 : i32 to index
        %parallel_loop3A_254 = arith.constant 32 : index
        %parallel_loop3A_255 = tpu.vector_load %arg17[%parallel_loop3A_253, %parallel_loop3A_254] {strides = array<i32>} : memref<80x128xf32, #tpu.memory_space<vmem>>, vector<1x16xf32>,
        %parallel_loop3A_256 = vector.shape_cast %parallel_loop3A_255 : vector<1x16xf32> to vector<16xf32>
        %parallel_loop3A_257 = arith.mulf %parallel_loop3A_252, %parallel_loop3A_256 : vector<16xf32>
        %parallel_loop3A_258 = arith.index_cast %parallel_loop3A_220 : i32 to index
        %parallel_loop3A_259 = arith.constant 32 : index
        %parallel_loop3A_260 = tpu.vector_load %arg15[%parallel_loop3A_258, %parallel_loop3A_259] {strides = array<i32>} : memref<80x128xf32, #tpu.memory_space<vmem>>, vector<1x16xf32>,
        %parallel_loop3A_261 = vector.shape_cast %parallel_loop3A_260 : vector<1x16xf32> to vector<16xf32>
        %parallel_loop3A_262 = vector.shape_cast %parallel_loop3A_257 : vector<16xf32> to vector<1x16xf32>
        tpu.vector_store %arg15[%parallel_loop3A_258, %parallel_loop3A_259], %parallel_loop3A_262 {strides = array<i32>} : memref<80x128xf32, #tpu.memory_space<vmem>>, vector<1x16xf32>,
        %parallel_loop3A_263 = arith.index_cast %parallel_loop3A_220 : i32 to index
        %parallel_loop3A_264 = arith.constant 48 : index
        %parallel_loop3A_265 = tpu.vector_load %arg15[%parallel_loop3A_263, %parallel_loop3A_264] {strides = array<i32>} : memref<80x128xf32, #tpu.memory_space<vmem>>, vector<1x16xf32>,
        %parallel_loop3A_266 = vector.shape_cast %parallel_loop3A_265 : vector<1x16xf32> to vector<16xf32>
        %parallel_loop3A_267 = arith.index_cast %parallel_loop3A_220 : i32 to index
        %parallel_loop3A_268 = arith.constant 48 : index
        %parallel_loop3A_269 = tpu.vector_load %arg17[%parallel_loop3A_267, %parallel_loop3A_268] {strides = array<i32>} : memref<80x128xf32, #tpu.memory_space<vmem>>, vector<1x16xf32>,
        %parallel_loop3A_270 = vector.shape_cast %parallel_loop3A_269 : vector<1x16xf32> to vector<16xf32>
        %parallel_loop3A_271 = arith.mulf %parallel_loop3A_266, %parallel_loop3A_270 : vector<16xf32>
        %parallel_loop3A_272 = arith.index_cast %parallel_loop3A_220 : i32 to index
        %parallel_loop3A_273 = arith.constant 48 : index
        %parallel_loop3A_274 = tpu.vector_load %arg15[%parallel_loop3A_272, %parallel_loop3A_273] {strides = array<i32>} : memref<80x128xf32, #tpu.memory_space<vmem>>, vector<1x16xf32>,
        %parallel_loop3A_275 = vector.shape_cast %parallel_loop3A_274 : vector<1x16xf32> to vector<16xf32>
        %parallel_loop3A_276 = vector.shape_cast %parallel_loop3A_271 : vector<16xf32> to vector<1x16xf32>
        tpu.vector_store %arg15[%parallel_loop3A_272, %parallel_loop3A_273], %parallel_loop3A_276 {strides = array<i32>} : memref<80x128xf32, #tpu.memory_space<vmem>>, vector<1x16xf32>,
        %parallel_loop3A_277 = arith.index_cast %parallel_loop3A_220 : i32 to index
        %parallel_loop3A_278 = arith.constant 64 : index
        %parallel_loop3A_279 = tpu.vector_load %arg15[%parallel_loop3A_277, %parallel_loop3A_278] {strides = array<i32>} : memref<80x128xf32, #tpu.memory_space<vmem>>, vector<1x16xf32>,
        %parallel_loop3A_280 = vector.shape_cast %parallel_loop3A_279 : vector<1x16xf32> to vector<16xf32>
        %parallel_loop3A_281 = arith.index_cast %parallel_loop3A_220 : i32 to index
        %parallel_loop3A_282 = arith.constant 64 : index
        %parallel_loop3A_283 = tpu.vector_load %arg17[%parallel_loop3A_281, %parallel_loop3A_282] {strides = array<i32>} : memref<80x128xf32, #tpu.memory_space<vmem>>, vector<1x16xf32>,
        %parallel_loop3A_284 = vector.shape_cast %parallel_loop3A_283 : vector<1x16xf32> to vector<16xf32>
        %parallel_loop3A_285 = arith.mulf %parallel_loop3A_280, %parallel_loop3A_284 : vector<16xf32>
        %parallel_loop3A_286 = arith.index_cast %parallel_loop3A_220 : i32 to index
        %parallel_loop3A_287 = arith.constant 64 : index
        %parallel_loop3A_288 = tpu.vector_load %arg15[%parallel_loop3A_286, %parallel_loop3A_287] {strides = array<i32>} : memref<80x128xf32, #tpu.memory_space<vmem>>, vector<1x16xf32>,
        %parallel_loop3A_289 = vector.shape_cast %parallel_loop3A_288 : vector<1x16xf32> to vector<16xf32>
        %parallel_loop3A_290 = vector.shape_cast %parallel_loop3A_285 : vector<16xf32> to vector<1x16xf32>
        tpu.vector_store %arg15[%parallel_loop3A_286, %parallel_loop3A_287], %parallel_loop3A_290 {strides = array<i32>} : memref<80x128xf32, #tpu.memory_space<vmem>>, vector<1x16xf32>,
        %parallel_loop3A_291 = arith.index_cast %parallel_loop3A_220 : i32 to index
        %parallel_loop3A_292 = arith.constant 80 : index
        %parallel_loop3A_293 = tpu.vector_load %arg15[%parallel_loop3A_291, %parallel_loop3A_292] {strides = array<i32>} : memref<80x128xf32, #tpu.memory_space<vmem>>, vector<1x16xf32>,
        %parallel_loop3A_294 = vector.shape_cast %parallel_loop3A_293 : vector<1x16xf32> to vector<16xf32>
        %parallel_loop3A_295 = arith.index_cast %parallel_loop3A_220 : i32 to index
        %parallel_loop3A_296 = arith.constant 80 : index
        %parallel_loop3A_297 = tpu.vector_load %arg17[%parallel_loop3A_295, %parallel_loop3A_296] {strides = array<i32>} : memref<80x128xf32, #tpu.memory_space<vmem>>, vector<1x16xf32>,
        %parallel_loop3A_298 = vector.shape_cast %parallel_loop3A_297 : vector<1x16xf32> to vector<16xf32>
        %parallel_loop3A_299 = arith.mulf %parallel_loop3A_294, %parallel_loop3A_298 : vector<16xf32>
        %parallel_loop3A_300 = arith.index_cast %parallel_loop3A_220 : i32 to index
        %parallel_loop3A_301 = arith.constant 80 : index
        %parallel_loop3A_302 = tpu.vector_load %arg15[%parallel_loop3A_300, %parallel_loop3A_301] {strides = array<i32>} : memref<80x128xf32, #tpu.memory_space<vmem>>, vector<1x16xf32>,
        %parallel_loop3A_303 = vector.shape_cast %parallel_loop3A_302 : vector<1x16xf32> to vector<16xf32>
        %parallel_loop3A_304 = vector.shape_cast %parallel_loop3A_299 : vector<16xf32> to vector<1x16xf32>
        tpu.vector_store %arg15[%parallel_loop3A_300, %parallel_loop3A_301], %parallel_loop3A_304 {strides = array<i32>} : memref<80x128xf32, #tpu.memory_space<vmem>>, vector<1x16xf32>,
        %parallel_loop3A_305 = arith.index_cast %parallel_loop3A_220 : i32 to index
        %parallel_loop3A_306 = arith.constant 96 : index
        %parallel_loop3A_307 = tpu.vector_load %arg15[%parallel_loop3A_305, %parallel_loop3A_306] {strides = array<i32>} : memref<80x128xf32, #tpu.memory_space<vmem>>, vector<1x16xf32>,
        %parallel_loop3A_308 = vector.shape_cast %parallel_loop3A_307 : vector<1x16xf32> to vector<16xf32>
        %parallel_loop3A_309 = arith.index_cast %parallel_loop3A_220 : i32 to index
        %parallel_loop3A_310 = arith.constant 96 : index
        %parallel_loop3A_311 = tpu.vector_load %arg17[%parallel_loop3A_309, %parallel_loop3A_310] {strides = array<i32>} : memref<80x128xf32, #tpu.memory_space<vmem>>, vector<1x16xf32>,
        %parallel_loop3A_312 = vector.shape_cast %parallel_loop3A_311 : vector<1x16xf32> to vector<16xf32>
        %parallel_loop3A_313 = arith.mulf %parallel_loop3A_308, %parallel_loop3A_312 : vector<16xf32>
        %parallel_loop3A_314 = arith.index_cast %parallel_loop3A_220 : i32 to index
        %parallel_loop3A_315 = arith.constant 96 : index
        %parallel_loop3A_316 = tpu.vector_load %arg15[%parallel_loop3A_314, %parallel_loop3A_315] {strides = array<i32>} : memref<80x128xf32, #tpu.memory_space<vmem>>, vector<1x16xf32>,
        %parallel_loop3A_317 = vector.shape_cast %parallel_loop3A_316 : vector<1x16xf32> to vector<16xf32>
        %parallel_loop3A_318 = vector.shape_cast %parallel_loop3A_313 : vector<16xf32> to vector<1x16xf32>
        tpu.vector_store %arg15[%parallel_loop3A_314, %parallel_loop3A_315], %parallel_loop3A_318 {strides = array<i32>} : memref<80x128xf32, #tpu.memory_space<vmem>>, vector<1x16xf32>,
        %parallel_loop3A_319 = arith.index_cast %parallel_loop3A_220 : i32 to index
        %parallel_loop3A_320 = arith.constant 112 : index
        %parallel_loop3A_321 = tpu.vector_load %arg15[%parallel_loop3A_319, %parallel_loop3A_320] {strides = array<i32>} : memref<80x128xf32, #tpu.memory_space<vmem>>, vector<1x16xf32>,
        %parallel_loop3A_322 = vector.shape_cast %parallel_loop3A_321 : vector<1x16xf32> to vector<16xf32>
        %parallel_loop3A_323 = arith.index_cast %parallel_loop3A_220 : i32 to index
        %parallel_loop3A_324 = arith.constant 112 : index
        %parallel_loop3A_325 = tpu.vector_load %arg17[%parallel_loop3A_323, %parallel_loop3A_324] {strides = array<i32>} : memref<80x128xf32, #tpu.memory_space<vmem>>, vector<1x16xf32>,
        %parallel_loop3A_326 = vector.shape_cast %parallel_loop3A_325 : vector<1x16xf32> to vector<16xf32>
        %parallel_loop3A_327 = arith.mulf %parallel_loop3A_322, %parallel_loop3A_326 : vector<16xf32>
        %parallel_loop3A_328 = arith.index_cast %parallel_loop3A_220 : i32 to index
        %parallel_loop3A_329 = arith.constant 112 : index
        %parallel_loop3A_330 = tpu.vector_load %arg15[%parallel_loop3A_328, %parallel_loop3A_329] {strides = array<i32>} : memref<80x128xf32, #tpu.memory_space<vmem>>, vector<1x16xf32>,
        %parallel_loop3A_331 = vector.shape_cast %parallel_loop3A_330 : vector<1x16xf32> to vector<16xf32>
        %parallel_loop3A_332 = vector.shape_cast %parallel_loop3A_327 : vector<16xf32> to vector<1x16xf32>
        tpu.vector_store %arg15[%parallel_loop3A_328, %parallel_loop3A_329], %parallel_loop3A_332 {strides = array<i32>} : memref<80x128xf32, #tpu.memory_space<vmem>>, vector<1x16xf32>,
      } {sc.loop_unroll_factor = 1 : i64, sc.parallel_access}
      %dma_wait3A_170 = tpu.memref_slice %arg5[%add3A_159] : memref<320000xi32, #tpu.memory_space<hbm>> -> memref<80xi32, #tpu.memory_space<hbm>>
      %dma_wait3A_171 = tpu.memref_slice %arg5[%add3A_159] : memref<320000xi32, #tpu.memory_space<hbm>> -> memref<80xi32, #tpu.memory_space<hbm>>
      tpu.wait_dma2 semaphore(%arg30 : memref<!tpu.dma_semaphore, #tpu.memory_space<semaphore_mem>>) src(%dma_wait3A_171 : memref<80xi32, #tpu.memory_space<hbm>>) dst(%arg13 : memref<80xi32, #tpu.memory_space<vmem>>)
      "tpu.region"() ({
        %run_scoped3A = tpu.sem_alloc : memref<!tpu.dma_semaphore, #tpu.memory_space<semaphore_mem>>
        %dma_start3A_220 = arith.constant 0 : i32
        %dma_start3A_221 = arith.constant 0 : i32
        %dma_start3A_222 = tpu.memref_slice %arg19[%dma_start3A_220, %dma_start3A_221] : memref<10240x128xf32, #tpu.memory_space<vmem_shared>> -> memref<10240x128xf32, #tpu.memory_space<vmem_shared>>
        tpu.enqueue_indirect_dma source(%arg15 : memref<80x128xf32, #tpu.memory_space<vmem>>) target(%dma_start3A_222 : memref<10240x128xf32, #tpu.memory_space<vmem_shared>>) offsets(%arg13 : memref<80xi32, #tpu.memory_space<vmem>>) semaphore(%run_scoped3A : memref<!tpu.dma_semaphore, #tpu.memory_space<semaphore_mem>>) {add = true}
        %dma_wait3A_223 = arith.constant 0 : i32
        %dma_wait3A_224 = arith.constant 0 : i32
        %dma_wait3A_225 = tpu.memref_slice %arg19[%dma_wait3A_223, %dma_wait3A_224] : memref<10240x128xf32, #tpu.memory_space<vmem_shared>> -> memref<10240x128xf32, #tpu.memory_space<vmem_shared>>
        tpu.wait_indirect_dma semaphore(%run_scoped3A : memref<!tpu.dma_semaphore, #tpu.memory_space<semaphore_mem>>) src(%arg15 : memref<80x128xf32, #tpu.memory_space<vmem>>) dst(%dma_wait3A_225 : memref<10240x128xf32, #tpu.memory_space<vmem_shared>>)
        tpu.yield
      }) : () -> ()
      %add3A_172 = arith.constant 4 : i32
      %add3A_173 = arith.addi %add3A_156, %add3A_172 : i32
      %lt3A_174 = arith.constant 125 : i32
      %lt3A_175 = arith.cmpi slt, %add3A_173, %lt3A_174 : i32
      %convert_element_type3A_176 = arith.extui %lt3A_175 : i1 to i32
      %cond3A_177 = arith.constant 0 : i32
      %cond3A_178 = arith.cmpi ne, %convert_element_type3A_176, %cond3A_177 : i32
      scf.if %cond3A_178 {
        %add3A_220 = arith.constant 320 : i32
        %add3A_221 = arith.addi %add3A_159, %add3A_220 : i32
        %dma_start3A_222 = tpu.memref_slice %arg4[%add3A_221] : memref<320000xi32, #tpu.memory_space<hbm>> -> memref<80xi32, #tpu.memory_space<hbm>>
        %dma_start3A_223 = tpu.memref_slice %arg4[%add3A_221] : memref<320000xi32, #tpu.memory_space<hbm>> -> memref<80xi32, #tpu.memory_space<hbm>>
        tpu.enqueue_dma source(%dma_start3A_223 : memref<80xi32, #tpu.memory_space<hbm>>) target(%arg9 : memref<80xi32, #tpu.memory_space<vmem>>) target_semaphore(%arg26 : memref<!tpu.dma_semaphore, #tpu.memory_space<semaphore_mem>>)
        %dma_start3A_224 = tpu.memref_slice %arg5[%add3A_221] : memref<320000xi32, #tpu.memory_space<hbm>> -> memref<80xi32, #tpu.memory_space<hbm>>
        %dma_start3A_225 = tpu.memref_slice %arg5[%add3A_221] : memref<320000xi32, #tpu.memory_space<hbm>> -> memref<80xi32, #tpu.memory_space<hbm>>
        tpu.enqueue_dma source(%dma_start3A_225 : memref<80xi32, #tpu.memory_space<hbm>>) target(%arg13 : memref<80xi32, #tpu.memory_space<vmem>>) target_semaphore(%arg30 : memref<!tpu.dma_semaphore, #tpu.memory_space<semaphore_mem>>)
      } else {
      }
      %add3A_179 = arith.constant 2 : i32
      %add3A_180 = arith.addi %add3A_156, %add3A_179 : i32
      %lt3A_181 = arith.constant 125 : i32
      %lt3A_182 = arith.cmpi slt, %add3A_180, %lt3A_181 : i32
      %convert_element_type3A_183 = arith.extui %lt3A_182 : i1 to i32
      %cond3A_184 = arith.constant 0 : i32
      %cond3A_185 = arith.cmpi ne, %convert_element_type3A_183, %cond3A_184 : i32
      scf.if %cond3A_185 {
        %add3A_220 = arith.constant 160 : i32
        %add3A_221 = arith.addi %add3A_159, %add3A_220 : i32
        %dma_wait3A_222 = tpu.memref_slice %arg4[%add3A_221] : memref<320000xi32, #tpu.memory_space<hbm>> -> memref<80xi32, #tpu.memory_space<hbm>>
        %dma_wait3A_223 = tpu.memref_slice %arg4[%add3A_221] : memref<320000xi32, #tpu.memory_space<hbm>> -> memref<80xi32, #tpu.memory_space<hbm>>
        tpu.wait_dma2 semaphore(%arg24 : memref<!tpu.dma_semaphore, #tpu.memory_space<semaphore_mem>>) src(%dma_wait3A_223 : memref<80xi32, #tpu.memory_space<hbm>>) dst(%arg7 : memref<80xi32, #tpu.memory_space<vmem>>)
        %dma_start3A_224 = arith.constant 0 : i32
        %dma_start3A_225 = tpu.memref_slice %arg3[%add3A_221, %dma_start3A_224] : memref<320000x128xf32, #tpu.memory_space<hbm>> -> memref<80x128xf32, #tpu.memory_space<hbm>>
        %dma_start3A_226 = arith.constant 0 : i32
        %dma_start3A_227 = tpu.memref_slice %arg3[%add3A_221, %dma_start3A_226] : memref<320000x128xf32, #tpu.memory_space<hbm>> -> memref<80x128xf32, #tpu.memory_space<hbm>>
        tpu.enqueue_dma source(%dma_start3A_227 : memref<80x128xf32, #tpu.memory_space<hbm>>) target(%arg17 : memref<80x128xf32, #tpu.memory_space<vmem>>) target_semaphore(%arg22 : memref<!tpu.dma_semaphore, #tpu.memory_space<semaphore_mem>>)
        %dma_start3A_228 = arith.constant 0 : i32
        %dma_start3A_229 = arith.constant 0 : i32
        %dma_start3A_230 = tpu.memref_slice %arg2[%dma_start3A_228, %dma_start3A_229] : memref<10000x128xf32, #tpu.memory_space<hbm>> -> memref<10000x128xf32, #tpu.memory_space<hbm>>
        tpu.enqueue_indirect_dma source(%dma_start3A_230 : memref<10000x128xf32, #tpu.memory_space<hbm>>) target(%arg15 : memref<80x128xf32, #tpu.memory_space<vmem>>) offsets(%arg7 : memref<80xi32, #tpu.memory_space<vmem>>) semaphore(%arg20 : memref<!tpu.dma_semaphore, #tpu.memory_space<semaphore_mem>>)
      } else {
      }
      %mul3A_186 = arith.constant 4 : i32
      %mul3A_187 = arith.muli %mul3A_186, %scan3A_88 : i32
      %add3A_188 = arith.constant 3 : i32
      %add3A_189 = arith.addi %mul3A_187, %add3A_188 : i32
      %mul3A_190 = arith.constant 80 : i32
      %mul3A_191 = arith.muli %add3A_189, %mul3A_190 : i32
      %add3A_192 = arith.addi %mul3A_15, %mul3A_191 : i32
      %dma_wait3A_193 = arith.constant 0 : i32
      %dma_wait3A_194 = tpu.memref_slice %arg3[%add3A_192, %dma_wait3A_193] : memref<320000x128xf32, #tpu.memory_space<hbm>> -> memref<80x128xf32, #tpu.memory_space<hbm>>
      %dma_wait3A_195 = arith.constant 0 : i32
      %dma_wait3A_196 = tpu.memref_slice %arg3[%add3A_192, %dma_wait3A_195] : memref<320000x128xf32, #tpu.memory_space<hbm>> -> memref<80x128xf32, #tpu.memory_space<hbm>>
      tpu.wait_dma2 semaphore(%arg23 : memref<!tpu.dma_semaphore, #tpu.memory_space<semaphore_mem>>) src(%dma_wait3A_196 : memref<80x128xf32, #tpu.memory_space<hbm>>) dst(%arg18 : memref<80x128xf32, #tpu.memory_space<vmem>>)
      %dma_wait3A_197 = arith.constant 0 : i32
      %dma_wait3A_198 = arith.constant 0 : i32
      %dma_wait3A_199 = tpu.memref_slice %arg2[%dma_wait3A_197, %dma_wait3A_198] : memref<10000x128xf32, #tpu.memory_space<hbm>> -> memref<10000x128xf32, #tpu.memory_space<hbm>>
      tpu.wait_indirect_dma semaphore(%arg21 : memref<!tpu.dma_semaphore, #tpu.memory_space<semaphore_mem>>) src(%dma_wait3A_199 : memref<10000x128xf32, #tpu.memory_space<hbm>>) dst(%arg16 : memref<80x128xf32, #tpu.memory_space<vmem>>)
      %parallel_loop3A_200 = arith.constant 0 : i32
      %parallel_loop3A_201 = arith.constant 80 : i32
      %parallel_loop3A_202 = arith.constant 1 : i32
      scf.for %parallel_loop3A_220 = %parallel_loop3A_200 to %parallel_loop3A_201 step %parallel_loop3A_202  : i32 {
        %parallel_loop3A_221 = arith.index_cast %parallel_loop3A_220 : i32 to index
        %parallel_loop3A_222 = arith.constant 0 : index
        %parallel_loop3A_223 = tpu.vector_load %arg16[%parallel_loop3A_221, %parallel_loop3A_222] {strides = array<i32>} : memref<80x128xf32, #tpu.memory_space<vmem>>, vector<1x16xf32>,
        %parallel_loop3A_224 = vector.shape_cast %parallel_loop3A_223 : vector<1x16xf32> to vector<16xf32>
        %parallel_loop3A_225 = arith.index_cast %parallel_loop3A_220 : i32 to index
        %parallel_loop3A_226 = arith.constant 0 : index
        %parallel_loop3A_227 = tpu.vector_load %arg18[%parallel_loop3A_225, %parallel_loop3A_226] {strides = array<i32>} : memref<80x128xf32, #tpu.memory_space<vmem>>, vector<1x16xf32>,
        %parallel_loop3A_228 = vector.shape_cast %parallel_loop3A_227 : vector<1x16xf32> to vector<16xf32>
        %parallel_loop3A_229 = arith.mulf %parallel_loop3A_224, %parallel_loop3A_228 : vector<16xf32>
        %parallel_loop3A_230 = arith.index_cast %parallel_loop3A_220 : i32 to index
        %parallel_loop3A_231 = arith.constant 0 : index
        %parallel_loop3A_232 = tpu.vector_load %arg16[%parallel_loop3A_230, %parallel_loop3A_231] {strides = array<i32>} : memref<80x128xf32, #tpu.memory_space<vmem>>, vector<1x16xf32>,
        %parallel_loop3A_233 = vector.shape_cast %parallel_loop3A_232 : vector<1x16xf32> to vector<16xf32>
        %parallel_loop3A_234 = vector.shape_cast %parallel_loop3A_229 : vector<16xf32> to vector<1x16xf32>
        tpu.vector_store %arg16[%parallel_loop3A_230, %parallel_loop3A_231], %parallel_loop3A_234 {strides = array<i32>} : memref<80x128xf32, #tpu.memory_space<vmem>>, vector<1x16xf32>,
        %parallel_loop3A_235 = arith.index_cast %parallel_loop3A_220 : i32 to index
        %parallel_loop3A_236 = arith.constant 16 : index
        %parallel_loop3A_237 = tpu.vector_load %arg16[%parallel_loop3A_235, %parallel_loop3A_236] {strides = array<i32>} : memref<80x128xf32, #tpu.memory_space<vmem>>, vector<1x16xf32>,
        %parallel_loop3A_238 = vector.shape_cast %parallel_loop3A_237 : vector<1x16xf32> to vector<16xf32>
        %parallel_loop3A_239 = arith.index_cast %parallel_loop3A_220 : i32 to index
        %parallel_loop3A_240 = arith.constant 16 : index
        %parallel_loop3A_241 = tpu.vector_load %arg18[%parallel_loop3A_239, %parallel_loop3A_240] {strides = array<i32>} : memref<80x128xf32, #tpu.memory_space<vmem>>, vector<1x16xf32>,
        %parallel_loop3A_242 = vector.shape_cast %parallel_loop3A_241 : vector<1x16xf32> to vector<16xf32>
        %parallel_loop3A_243 = arith.mulf %parallel_loop3A_238, %parallel_loop3A_242 : vector<16xf32>
        %parallel_loop3A_244 = arith.index_cast %parallel_loop3A_220 : i32 to index
        %parallel_loop3A_245 = arith.constant 16 : index
        %parallel_loop3A_246 = tpu.vector_load %arg16[%parallel_loop3A_244, %parallel_loop3A_245] {strides = array<i32>} : memref<80x128xf32, #tpu.memory_space<vmem>>, vector<1x16xf32>,
        %parallel_loop3A_247 = vector.shape_cast %parallel_loop3A_246 : vector<1x16xf32> to vector<16xf32>
        %parallel_loop3A_248 = vector.shape_cast %parallel_loop3A_243 : vector<16xf32> to vector<1x16xf32>
        tpu.vector_store %arg16[%parallel_loop3A_244, %parallel_loop3A_245], %parallel_loop3A_248 {strides = array<i32>} : memref<80x128xf32, #tpu.memory_space<vmem>>, vector<1x16xf32>,
        %parallel_loop3A_249 = arith.index_cast %parallel_loop3A_220 : i32 to index
        %parallel_loop3A_250 = arith.constant 32 : index
        %parallel_loop3A_251 = tpu.vector_load %arg16[%parallel_loop3A_249, %parallel_loop3A_250] {strides = array<i32>} : memref<80x128xf32, #tpu.memory_space<vmem>>, vector<1x16xf32>,
        %parallel_loop3A_252 = vector.shape_cast %parallel_loop3A_251 : vector<1x16xf32> to vector<16xf32>
        %parallel_loop3A_253 = arith.index_cast %parallel_loop3A_220 : i32 to index
        %parallel_loop3A_254 = arith.constant 32 : index
        %parallel_loop3A_255 = tpu.vector_load %arg18[%parallel_loop3A_253, %parallel_loop3A_254] {strides = array<i32>} : memref<80x128xf32, #tpu.memory_space<vmem>>, vector<1x16xf32>,
        %parallel_loop3A_256 = vector.shape_cast %parallel_loop3A_255 : vector<1x16xf32> to vector<16xf32>
        %parallel_loop3A_257 = arith.mulf %parallel_loop3A_252, %parallel_loop3A_256 : vector<16xf32>
        %parallel_loop3A_258 = arith.index_cast %parallel_loop3A_220 : i32 to index
        %parallel_loop3A_259 = arith.constant 32 : index
        %parallel_loop3A_260 = tpu.vector_load %arg16[%parallel_loop3A_258, %parallel_loop3A_259] {strides = array<i32>} : memref<80x128xf32, #tpu.memory_space<vmem>>, vector<1x16xf32>,
        %parallel_loop3A_261 = vector.shape_cast %parallel_loop3A_260 : vector<1x16xf32> to vector<16xf32>
        %parallel_loop3A_262 = vector.shape_cast %parallel_loop3A_257 : vector<16xf32> to vector<1x16xf32>
        tpu.vector_store %arg16[%parallel_loop3A_258, %parallel_loop3A_259], %parallel_loop3A_262 {strides = array<i32>} : memref<80x128xf32, #tpu.memory_space<vmem>>, vector<1x16xf32>,
        %parallel_loop3A_263 = arith.index_cast %parallel_loop3A_220 : i32 to index
        %parallel_loop3A_264 = arith.constant 48 : index
        %parallel_loop3A_265 = tpu.vector_load %arg16[%parallel_loop3A_263, %parallel_loop3A_264] {strides = array<i32>} : memref<80x128xf32, #tpu.memory_space<vmem>>, vector<1x16xf32>,
        %parallel_loop3A_266 = vector.shape_cast %parallel_loop3A_265 : vector<1x16xf32> to vector<16xf32>
        %parallel_loop3A_267 = arith.index_cast %parallel_loop3A_220 : i32 to index
        %parallel_loop3A_268 = arith.constant 48 : index
        %parallel_loop3A_269 = tpu.vector_load %arg18[%parallel_loop3A_267, %parallel_loop3A_268] {strides = array<i32>} : memref<80x128xf32, #tpu.memory_space<vmem>>, vector<1x16xf32>,
        %parallel_loop3A_270 = vector.shape_cast %parallel_loop3A_269 : vector<1x16xf32> to vector<16xf32>
        %parallel_loop3A_271 = arith.mulf %parallel_loop3A_266, %parallel_loop3A_270 : vector<16xf32>
        %parallel_loop3A_272 = arith.index_cast %parallel_loop3A_220 : i32 to index
        %parallel_loop3A_273 = arith.constant 48 : index
        %parallel_loop3A_274 = tpu.vector_load %arg16[%parallel_loop3A_272, %parallel_loop3A_273] {strides = array<i32>} : memref<80x128xf32, #tpu.memory_space<vmem>>, vector<1x16xf32>,
        %parallel_loop3A_275 = vector.shape_cast %parallel_loop3A_274 : vector<1x16xf32> to vector<16xf32>
        %parallel_loop3A_276 = vector.shape_cast %parallel_loop3A_271 : vector<16xf32> to vector<1x16xf32>
        tpu.vector_store %arg16[%parallel_loop3A_272, %parallel_loop3A_273], %parallel_loop3A_276 {strides = array<i32>} : memref<80x128xf32, #tpu.memory_space<vmem>>, vector<1x16xf32>,
        %parallel_loop3A_277 = arith.index_cast %parallel_loop3A_220 : i32 to index
        %parallel_loop3A_278 = arith.constant 64 : index
        %parallel_loop3A_279 = tpu.vector_load %arg16[%parallel_loop3A_277, %parallel_loop3A_278] {strides = array<i32>} : memref<80x128xf32, #tpu.memory_space<vmem>>, vector<1x16xf32>,
        %parallel_loop3A_280 = vector.shape_cast %parallel_loop3A_279 : vector<1x16xf32> to vector<16xf32>
        %parallel_loop3A_281 = arith.index_cast %parallel_loop3A_220 : i32 to index
        %parallel_loop3A_282 = arith.constant 64 : index
        %parallel_loop3A_283 = tpu.vector_load %arg18[%parallel_loop3A_281, %parallel_loop3A_282] {strides = array<i32>} : memref<80x128xf32, #tpu.memory_space<vmem>>, vector<1x16xf32>,
        %parallel_loop3A_284 = vector.shape_cast %parallel_loop3A_283 : vector<1x16xf32> to vector<16xf32>
        %parallel_loop3A_285 = arith.mulf %parallel_loop3A_280, %parallel_loop3A_284 : vector<16xf32>
        %parallel_loop3A_286 = arith.index_cast %parallel_loop3A_220 : i32 to index
        %parallel_loop3A_287 = arith.constant 64 : index
        %parallel_loop3A_288 = tpu.vector_load %arg16[%parallel_loop3A_286, %parallel_loop3A_287] {strides = array<i32>} : memref<80x128xf32, #tpu.memory_space<vmem>>, vector<1x16xf32>,
        %parallel_loop3A_289 = vector.shape_cast %parallel_loop3A_288 : vector<1x16xf32> to vector<16xf32>
        %parallel_loop3A_290 = vector.shape_cast %parallel_loop3A_285 : vector<16xf32> to vector<1x16xf32>
        tpu.vector_store %arg16[%parallel_loop3A_286, %parallel_loop3A_287], %parallel_loop3A_290 {strides = array<i32>} : memref<80x128xf32, #tpu.memory_space<vmem>>, vector<1x16xf32>,
        %parallel_loop3A_291 = arith.index_cast %parallel_loop3A_220 : i32 to index
        %parallel_loop3A_292 = arith.constant 80 : index
        %parallel_loop3A_293 = tpu.vector_load %arg16[%parallel_loop3A_291, %parallel_loop3A_292] {strides = array<i32>} : memref<80x128xf32, #tpu.memory_space<vmem>>, vector<1x16xf32>,
        %parallel_loop3A_294 = vector.shape_cast %parallel_loop3A_293 : vector<1x16xf32> to vector<16xf32>
        %parallel_loop3A_295 = arith.index_cast %parallel_loop3A_220 : i32 to index
        %parallel_loop3A_296 = arith.constant 80 : index
        %parallel_loop3A_297 = tpu.vector_load %arg18[%parallel_loop3A_295, %parallel_loop3A_296] {strides = array<i32>} : memref<80x128xf32, #tpu.memory_space<vmem>>, vector<1x16xf32>,
        %parallel_loop3A_298 = vector.shape_cast %parallel_loop3A_297 : vector<1x16xf32> to vector<16xf32>
        %parallel_loop3A_299 = arith.mulf %parallel_loop3A_294, %parallel_loop3A_298 : vector<16xf32>
        %parallel_loop3A_300 = arith.index_cast %parallel_loop3A_220 : i32 to index
        %parallel_loop3A_301 = arith.constant 80 : index
        %parallel_loop3A_302 = tpu.vector_load %arg16[%parallel_loop3A_300, %parallel_loop3A_301] {strides = array<i32>} : memref<80x128xf32, #tpu.memory_space<vmem>>, vector<1x16xf32>,
        %parallel_loop3A_303 = vector.shape_cast %parallel_loop3A_302 : vector<1x16xf32> to vector<16xf32>
        %parallel_loop3A_304 = vector.shape_cast %parallel_loop3A_299 : vector<16xf32> to vector<1x16xf32>
        tpu.vector_store %arg16[%parallel_loop3A_300, %parallel_loop3A_301], %parallel_loop3A_304 {strides = array<i32>} : memref<80x128xf32, #tpu.memory_space<vmem>>, vector<1x16xf32>,
        %parallel_loop3A_305 = arith.index_cast %parallel_loop3A_220 : i32 to index
        %parallel_loop3A_306 = arith.constant 96 : index
        %parallel_loop3A_307 = tpu.vector_load %arg16[%parallel_loop3A_305, %parallel_loop3A_306] {strides = array<i32>} : memref<80x128xf32, #tpu.memory_space<vmem>>, vector<1x16xf32>,
        %parallel_loop3A_308 = vector.shape_cast %parallel_loop3A_307 : vector<1x16xf32> to vector<16xf32>
        %parallel_loop3A_309 = arith.index_cast %parallel_loop3A_220 : i32 to index
        %parallel_loop3A_310 = arith.constant 96 : index
        %parallel_loop3A_311 = tpu.vector_load %arg18[%parallel_loop3A_309, %parallel_loop3A_310] {strides = array<i32>} : memref<80x128xf32, #tpu.memory_space<vmem>>, vector<1x16xf32>,
        %parallel_loop3A_312 = vector.shape_cast %parallel_loop3A_311 : vector<1x16xf32> to vector<16xf32>
        %parallel_loop3A_313 = arith.mulf %parallel_loop3A_308, %parallel_loop3A_312 : vector<16xf32>
        %parallel_loop3A_314 = arith.index_cast %parallel_loop3A_220 : i32 to index
        %parallel_loop3A_315 = arith.constant 96 : index
        %parallel_loop3A_316 = tpu.vector_load %arg16[%parallel_loop3A_314, %parallel_loop3A_315] {strides = array<i32>} : memref<80x128xf32, #tpu.memory_space<vmem>>, vector<1x16xf32>,
        %parallel_loop3A_317 = vector.shape_cast %parallel_loop3A_316 : vector<1x16xf32> to vector<16xf32>
        %parallel_loop3A_318 = vector.shape_cast %parallel_loop3A_313 : vector<16xf32> to vector<1x16xf32>
        tpu.vector_store %arg16[%parallel_loop3A_314, %parallel_loop3A_315], %parallel_loop3A_318 {strides = array<i32>} : memref<80x128xf32, #tpu.memory_space<vmem>>, vector<1x16xf32>,
        %parallel_loop3A_319 = arith.index_cast %parallel_loop3A_220 : i32 to index
        %parallel_loop3A_320 = arith.constant 112 : index
        %parallel_loop3A_321 = tpu.vector_load %arg16[%parallel_loop3A_319, %parallel_loop3A_320] {strides = array<i32>} : memref<80x128xf32, #tpu.memory_space<vmem>>, vector<1x16xf32>,
        %parallel_loop3A_322 = vector.shape_cast %parallel_loop3A_321 : vector<1x16xf32> to vector<16xf32>
        %parallel_loop3A_323 = arith.index_cast %parallel_loop3A_220 : i32 to index
        %parallel_loop3A_324 = arith.constant 112 : index
        %parallel_loop3A_325 = tpu.vector_load %arg18[%parallel_loop3A_323, %parallel_loop3A_324] {strides = array<i32>} : memref<80x128xf32, #tpu.memory_space<vmem>>, vector<1x16xf32>,
        %parallel_loop3A_326 = vector.shape_cast %parallel_loop3A_325 : vector<1x16xf32> to vector<16xf32>
        %parallel_loop3A_327 = arith.mulf %parallel_loop3A_322, %parallel_loop3A_326 : vector<16xf32>
        %parallel_loop3A_328 = arith.index_cast %parallel_loop3A_220 : i32 to index
        %parallel_loop3A_329 = arith.constant 112 : index
        %parallel_loop3A_330 = tpu.vector_load %arg16[%parallel_loop3A_328, %parallel_loop3A_329] {strides = array<i32>} : memref<80x128xf32, #tpu.memory_space<vmem>>, vector<1x16xf32>,
        %parallel_loop3A_331 = vector.shape_cast %parallel_loop3A_330 : vector<1x16xf32> to vector<16xf32>
        %parallel_loop3A_332 = vector.shape_cast %parallel_loop3A_327 : vector<16xf32> to vector<1x16xf32>
        tpu.vector_store %arg16[%parallel_loop3A_328, %parallel_loop3A_329], %parallel_loop3A_332 {strides = array<i32>} : memref<80x128xf32, #tpu.memory_space<vmem>>, vector<1x16xf32>,
      } {sc.loop_unroll_factor = 1 : i64, sc.parallel_access}
      %dma_wait3A_203 = tpu.memref_slice %arg5[%add3A_192] : memref<320000xi32, #tpu.memory_space<hbm>> -> memref<80xi32, #tpu.memory_space<hbm>>
      %dma_wait3A_204 = tpu.memref_slice %arg5[%add3A_192] : memref<320000xi32, #tpu.memory_space<hbm>> -> memref<80xi32, #tpu.memory_space<hbm>>
      tpu.wait_dma2 semaphore(%arg31 : memref<!tpu.dma_semaphore, #tpu.memory_space<semaphore_mem>>) src(%dma_wait3A_204 : memref<80xi32, #tpu.memory_space<hbm>>) dst(%arg14 : memref<80xi32, #tpu.memory_space<vmem>>)
      "tpu.region"() ({
        %run_scoped3A = tpu.sem_alloc : memref<!tpu.dma_semaphore, #tpu.memory_space<semaphore_mem>>
        %dma_start3A_220 = arith.constant 0 : i32
        %dma_start3A_221 = arith.constant 0 : i32
        %dma_start3A_222 = tpu.memref_slice %arg19[%dma_start3A_220, %dma_start3A_221] : memref<10240x128xf32, #tpu.memory_space<vmem_shared>> -> memref<10240x128xf32, #tpu.memory_space<vmem_shared>>
        tpu.enqueue_indirect_dma source(%arg16 : memref<80x128xf32, #tpu.memory_space<vmem>>) target(%dma_start3A_222 : memref<10240x128xf32, #tpu.memory_space<vmem_shared>>) offsets(%arg14 : memref<80xi32, #tpu.memory_space<vmem>>) semaphore(%run_scoped3A : memref<!tpu.dma_semaphore, #tpu.memory_space<semaphore_mem>>) {add = true}
        %dma_wait3A_223 = arith.constant 0 : i32
        %dma_wait3A_224 = arith.constant 0 : i32
        %dma_wait3A_225 = tpu.memref_slice %arg19[%dma_wait3A_223, %dma_wait3A_224] : memref<10240x128xf32, #tpu.memory_space<vmem_shared>> -> memref<10240x128xf32, #tpu.memory_space<vmem_shared>>
        tpu.wait_indirect_dma semaphore(%run_scoped3A : memref<!tpu.dma_semaphore, #tpu.memory_space<semaphore_mem>>) src(%arg16 : memref<80x128xf32, #tpu.memory_space<vmem>>) dst(%dma_wait3A_225 : memref<10240x128xf32, #tpu.memory_space<vmem_shared>>)
        tpu.yield
      }) : () -> ()
      %add3A_205 = arith.constant 4 : i32
      %add3A_206 = arith.addi %add3A_189, %add3A_205 : i32
      %lt3A_207 = arith.constant 125 : i32
      %lt3A_208 = arith.cmpi slt, %add3A_206, %lt3A_207 : i32
      %convert_element_type3A_209 = arith.extui %lt3A_208 : i1 to i32
      %cond3A_210 = arith.constant 0 : i32
      %cond3A_211 = arith.cmpi ne, %convert_element_type3A_209, %cond3A_210 : i32
      scf.if %cond3A_211 {
        %add3A_220 = arith.constant 320 : i32
        %add3A_221 = arith.addi %add3A_192, %add3A_220 : i32
        %dma_start3A_222 = tpu.memref_slice %arg4[%add3A_221] : memref<320000xi32, #tpu.memory_space<hbm>> -> memref<80xi32, #tpu.memory_space<hbm>>
        %dma_start3A_223 = tpu.memref_slice %arg4[%add3A_221] : memref<320000xi32, #tpu.memory_space<hbm>> -> memref<80xi32, #tpu.memory_space<hbm>>
        tpu.enqueue_dma source(%dma_start3A_223 : memref<80xi32, #tpu.memory_space<hbm>>) target(%arg10 : memref<80xi32, #tpu.memory_space<vmem>>) target_semaphore(%arg27 : memref<!tpu.dma_semaphore, #tpu.memory_space<semaphore_mem>>)
        %dma_start3A_224 = tpu.memref_slice %arg5[%add3A_221] : memref<320000xi32, #tpu.memory_space<hbm>> -> memref<80xi32, #tpu.memory_space<hbm>>
        %dma_start3A_225 = tpu.memref_slice %arg5[%add3A_221] : memref<320000xi32, #tpu.memory_space<hbm>> -> memref<80xi32, #tpu.memory_space<hbm>>
        tpu.enqueue_dma source(%dma_start3A_225 : memref<80xi32, #tpu.memory_space<hbm>>) target(%arg14 : memref<80xi32, #tpu.memory_space<vmem>>) target_semaphore(%arg31 : memref<!tpu.dma_semaphore, #tpu.memory_space<semaphore_mem>>)
      } else {
      }
      %add3A_212 = arith.constant 2 : i32
      %add3A_213 = arith.addi %add3A_189, %add3A_212 : i32
      %lt3A_214 = arith.constant 125 : i32
      %lt3A_215 = arith.cmpi slt, %add3A_213, %lt3A_214 : i32
      %convert_element_type3A_216 = arith.extui %lt3A_215 : i1 to i32
      %cond3A_217 = arith.constant 0 : i32
      %cond3A_218 = arith.cmpi ne, %convert_element_type3A_216, %cond3A_217 : i32
      scf.if %cond3A_218 {
        %add3A_220 = arith.constant 160 : i32
        %add3A_221 = arith.addi %add3A_192, %add3A_220 : i32
        %dma_wait3A_222 = tpu.memref_slice %arg4[%add3A_221] : memref<320000xi32, #tpu.memory_space<hbm>> -> memref<80xi32, #tpu.memory_space<hbm>>
        %dma_wait3A_223 = tpu.memref_slice %arg4[%add3A_221] : memref<320000xi32, #tpu.memory_space<hbm>> -> memref<80xi32, #tpu.memory_space<hbm>>
        tpu.wait_dma2 semaphore(%arg25 : memref<!tpu.dma_semaphore, #tpu.memory_space<semaphore_mem>>) src(%dma_wait3A_223 : memref<80xi32, #tpu.memory_space<hbm>>) dst(%arg8 : memref<80xi32, #tpu.memory_space<vmem>>)
        %dma_start3A_224 = arith.constant 0 : i32
        %dma_start3A_225 = tpu.memref_slice %arg3[%add3A_221, %dma_start3A_224] : memref<320000x128xf32, #tpu.memory_space<hbm>> -> memref<80x128xf32, #tpu.memory_space<hbm>>
        %dma_start3A_226 = arith.constant 0 : i32
        %dma_start3A_227 = tpu.memref_slice %arg3[%add3A_221, %dma_start3A_226] : memref<320000x128xf32, #tpu.memory_space<hbm>> -> memref<80x128xf32, #tpu.memory_space<hbm>>
        tpu.enqueue_dma source(%dma_start3A_227 : memref<80x128xf32, #tpu.memory_space<hbm>>) target(%arg18 : memref<80x128xf32, #tpu.memory_space<vmem>>) target_semaphore(%arg23 : memref<!tpu.dma_semaphore, #tpu.memory_space<semaphore_mem>>)
        %dma_start3A_228 = arith.constant 0 : i32
        %dma_start3A_229 = arith.constant 0 : i32
        %dma_start3A_230 = tpu.memref_slice %arg2[%dma_start3A_228, %dma_start3A_229] : memref<10000x128xf32, #tpu.memory_space<hbm>> -> memref<10000x128xf32, #tpu.memory_space<hbm>>
        tpu.enqueue_indirect_dma source(%dma_start3A_230 : memref<10000x128xf32, #tpu.memory_space<hbm>>) target(%arg16 : memref<80x128xf32, #tpu.memory_space<vmem>>) offsets(%arg8 : memref<80xi32, #tpu.memory_space<vmem>>) semaphore(%arg21 : memref<!tpu.dma_semaphore, #tpu.memory_space<semaphore_mem>>)
      } else {
      }
      %scan3A_219 = arith.constant 0 : i32
      scf.yield %scan3A_219 : i32
    }
    %scan3A_66 = arith.constant 31 : i32
    %add3A_67 = arith.constant 9920 : i32
    %add3A_68 = arith.addi %mul3A_15, %add3A_67 : i32
    %dma_wait3A_69 = arith.constant 0 : i32
    %dma_wait3A_70 = tpu.memref_slice %arg3[%add3A_68, %dma_wait3A_69] : memref<320000x128xf32, #tpu.memory_space<hbm>> -> memref<80x128xf32, #tpu.memory_space<hbm>>
    %dma_wait3A_71 = arith.constant 0 : i32
    %dma_wait3A_72 = tpu.memref_slice %arg3[%add3A_68, %dma_wait3A_71] : memref<320000x128xf32, #tpu.memory_space<hbm>> -> memref<80x128xf32, #tpu.memory_space<hbm>>
    tpu.wait_dma2 semaphore(%arg22 : memref<!tpu.dma_semaphore, #tpu.memory_space<semaphore_mem>>) src(%dma_wait3A_72 : memref<80x128xf32, #tpu.memory_space<hbm>>) dst(%arg17 : memref<80x128xf32, #tpu.memory_space<vmem>>)
    %dma_wait3A_73 = arith.constant 0 : i32
    %dma_wait3A_74 = arith.constant 0 : i32
    %dma_wait3A_75 = tpu.memref_slice %arg2[%dma_wait3A_73, %dma_wait3A_74] : memref<10000x128xf32, #tpu.memory_space<hbm>> -> memref<10000x128xf32, #tpu.memory_space<hbm>>
    tpu.wait_indirect_dma semaphore(%arg20 : memref<!tpu.dma_semaphore, #tpu.memory_space<semaphore_mem>>) src(%dma_wait3A_75 : memref<10000x128xf32, #tpu.memory_space<hbm>>) dst(%arg15 : memref<80x128xf32, #tpu.memory_space<vmem>>)
    %parallel_loop3A = arith.constant 0 : i32
    %parallel_loop3A_76 = arith.constant 80 : i32
    %parallel_loop3A_77 = arith.constant 1 : i32
    scf.for %parallel_loop3A_88 = %parallel_loop3A to %parallel_loop3A_76 step %parallel_loop3A_77  : i32 {
      %parallel_loop3A_89 = arith.index_cast %parallel_loop3A_88 : i32 to index
      %parallel_loop3A_90 = arith.constant 0 : index
      %parallel_loop3A_91 = tpu.vector_load %arg15[%parallel_loop3A_89, %parallel_loop3A_90] {strides = array<i32>} : memref<80x128xf32, #tpu.memory_space<vmem>>, vector<1x16xf32>,
      %parallel_loop3A_92 = vector.shape_cast %parallel_loop3A_91 : vector<1x16xf32> to vector<16xf32>
      %parallel_loop3A_93 = arith.index_cast %parallel_loop3A_88 : i32 to index
      %parallel_loop3A_94 = arith.constant 0 : index
      %parallel_loop3A_95 = tpu.vector_load %arg17[%parallel_loop3A_93, %parallel_loop3A_94] {strides = array<i32>} : memref<80x128xf32, #tpu.memory_space<vmem>>, vector<1x16xf32>,
      %parallel_loop3A_96 = vector.shape_cast %parallel_loop3A_95 : vector<1x16xf32> to vector<16xf32>
      %parallel_loop3A_97 = arith.mulf %parallel_loop3A_92, %parallel_loop3A_96 : vector<16xf32>
      %parallel_loop3A_98 = arith.index_cast %parallel_loop3A_88 : i32 to index
      %parallel_loop3A_99 = arith.constant 0 : index
      %parallel_loop3A_100 = tpu.vector_load %arg15[%parallel_loop3A_98, %parallel_loop3A_99] {strides = array<i32>} : memref<80x128xf32, #tpu.memory_space<vmem>>, vector<1x16xf32>,
      %parallel_loop3A_101 = vector.shape_cast %parallel_loop3A_100 : vector<1x16xf32> to vector<16xf32>
      %parallel_loop3A_102 = vector.shape_cast %parallel_loop3A_97 : vector<16xf32> to vector<1x16xf32>
      tpu.vector_store %arg15[%parallel_loop3A_98, %parallel_loop3A_99], %parallel_loop3A_102 {strides = array<i32>} : memref<80x128xf32, #tpu.memory_space<vmem>>, vector<1x16xf32>,
      %parallel_loop3A_103 = arith.index_cast %parallel_loop3A_88 : i32 to index
      %parallel_loop3A_104 = arith.constant 16 : index
      %parallel_loop3A_105 = tpu.vector_load %arg15[%parallel_loop3A_103, %parallel_loop3A_104] {strides = array<i32>} : memref<80x128xf32, #tpu.memory_space<vmem>>, vector<1x16xf32>,
      %parallel_loop3A_106 = vector.shape_cast %parallel_loop3A_105 : vector<1x16xf32> to vector<16xf32>
      %parallel_loop3A_107 = arith.index_cast %parallel_loop3A_88 : i32 to index
      %parallel_loop3A_108 = arith.constant 16 : index
      %parallel_loop3A_109 = tpu.vector_load %arg17[%parallel_loop3A_107, %parallel_loop3A_108] {strides = array<i32>} : memref<80x128xf32, #tpu.memory_space<vmem>>, vector<1x16xf32>,
      %parallel_loop3A_110 = vector.shape_cast %parallel_loop3A_109 : vector<1x16xf32> to vector<16xf32>
      %parallel_loop3A_111 = arith.mulf %parallel_loop3A_106, %parallel_loop3A_110 : vector<16xf32>
      %parallel_loop3A_112 = arith.index_cast %parallel_loop3A_88 : i32 to index
      %parallel_loop3A_113 = arith.constant 16 : index
      %parallel_loop3A_114 = tpu.vector_load %arg15[%parallel_loop3A_112, %parallel_loop3A_113] {strides = array<i32>} : memref<80x128xf32, #tpu.memory_space<vmem>>, vector<1x16xf32>,
      %parallel_loop3A_115 = vector.shape_cast %parallel_loop3A_114 : vector<1x16xf32> to vector<16xf32>
      %parallel_loop3A_116 = vector.shape_cast %parallel_loop3A_111 : vector<16xf32> to vector<1x16xf32>
      tpu.vector_store %arg15[%parallel_loop3A_112, %parallel_loop3A_113], %parallel_loop3A_116 {strides = array<i32>} : memref<80x128xf32, #tpu.memory_space<vmem>>, vector<1x16xf32>,
      %parallel_loop3A_117 = arith.index_cast %parallel_loop3A_88 : i32 to index
      %parallel_loop3A_118 = arith.constant 32 : index
      %parallel_loop3A_119 = tpu.vector_load %arg15[%parallel_loop3A_117, %parallel_loop3A_118] {strides = array<i32>} : memref<80x128xf32, #tpu.memory_space<vmem>>, vector<1x16xf32>,
      %parallel_loop3A_120 = vector.shape_cast %parallel_loop3A_119 : vector<1x16xf32> to vector<16xf32>
      %parallel_loop3A_121 = arith.index_cast %parallel_loop3A_88 : i32 to index
      %parallel_loop3A_122 = arith.constant 32 : index
      %parallel_loop3A_123 = tpu.vector_load %arg17[%parallel_loop3A_121, %parallel_loop3A_122] {strides = array<i32>} : memref<80x128xf32, #tpu.memory_space<vmem>>, vector<1x16xf32>,
      %parallel_loop3A_124 = vector.shape_cast %parallel_loop3A_123 : vector<1x16xf32> to vector<16xf32>
      %parallel_loop3A_125 = arith.mulf %parallel_loop3A_120, %parallel_loop3A_124 : vector<16xf32>
      %parallel_loop3A_126 = arith.index_cast %parallel_loop3A_88 : i32 to index
      %parallel_loop3A_127 = arith.constant 32 : index
      %parallel_loop3A_128 = tpu.vector_load %arg15[%parallel_loop3A_126, %parallel_loop3A_127] {strides = array<i32>} : memref<80x128xf32, #tpu.memory_space<vmem>>, vector<1x16xf32>,
      %parallel_loop3A_129 = vector.shape_cast %parallel_loop3A_128 : vector<1x16xf32> to vector<16xf32>
      %parallel_loop3A_130 = vector.shape_cast %parallel_loop3A_125 : vector<16xf32> to vector<1x16xf32>
      tpu.vector_store %arg15[%parallel_loop3A_126, %parallel_loop3A_127], %parallel_loop3A_130 {strides = array<i32>} : memref<80x128xf32, #tpu.memory_space<vmem>>, vector<1x16xf32>,
      %parallel_loop3A_131 = arith.index_cast %parallel_loop3A_88 : i32 to index
      %parallel_loop3A_132 = arith.constant 48 : index
      %parallel_loop3A_133 = tpu.vector_load %arg15[%parallel_loop3A_131, %parallel_loop3A_132] {strides = array<i32>} : memref<80x128xf32, #tpu.memory_space<vmem>>, vector<1x16xf32>,
      %parallel_loop3A_134 = vector.shape_cast %parallel_loop3A_133 : vector<1x16xf32> to vector<16xf32>
      %parallel_loop3A_135 = arith.index_cast %parallel_loop3A_88 : i32 to index
      %parallel_loop3A_136 = arith.constant 48 : index
      %parallel_loop3A_137 = tpu.vector_load %arg17[%parallel_loop3A_135, %parallel_loop3A_136] {strides = array<i32>} : memref<80x128xf32, #tpu.memory_space<vmem>>, vector<1x16xf32>,
      %parallel_loop3A_138 = vector.shape_cast %parallel_loop3A_137 : vector<1x16xf32> to vector<16xf32>
      %parallel_loop3A_139 = arith.mulf %parallel_loop3A_134, %parallel_loop3A_138 : vector<16xf32>
      %parallel_loop3A_140 = arith.index_cast %parallel_loop3A_88 : i32 to index
      %parallel_loop3A_141 = arith.constant 48 : index
      %parallel_loop3A_142 = tpu.vector_load %arg15[%parallel_loop3A_140, %parallel_loop3A_141] {strides = array<i32>} : memref<80x128xf32, #tpu.memory_space<vmem>>, vector<1x16xf32>,
      %parallel_loop3A_143 = vector.shape_cast %parallel_loop3A_142 : vector<1x16xf32> to vector<16xf32>
      %parallel_loop3A_144 = vector.shape_cast %parallel_loop3A_139 : vector<16xf32> to vector<1x16xf32>
      tpu.vector_store %arg15[%parallel_loop3A_140, %parallel_loop3A_141], %parallel_loop3A_144 {strides = array<i32>} : memref<80x128xf32, #tpu.memory_space<vmem>>, vector<1x16xf32>,
      %parallel_loop3A_145 = arith.index_cast %parallel_loop3A_88 : i32 to index
      %parallel_loop3A_146 = arith.constant 64 : index
      %parallel_loop3A_147 = tpu.vector_load %arg15[%parallel_loop3A_145, %parallel_loop3A_146] {strides = array<i32>} : memref<80x128xf32, #tpu.memory_space<vmem>>, vector<1x16xf32>,
      %parallel_loop3A_148 = vector.shape_cast %parallel_loop3A_147 : vector<1x16xf32> to vector<16xf32>
      %parallel_loop3A_149 = arith.index_cast %parallel_loop3A_88 : i32 to index
      %parallel_loop3A_150 = arith.constant 64 : index
      %parallel_loop3A_151 = tpu.vector_load %arg17[%parallel_loop3A_149, %parallel_loop3A_150] {strides = array<i32>} : memref<80x128xf32, #tpu.memory_space<vmem>>, vector<1x16xf32>,
      %parallel_loop3A_152 = vector.shape_cast %parallel_loop3A_151 : vector<1x16xf32> to vector<16xf32>
      %parallel_loop3A_153 = arith.mulf %parallel_loop3A_148, %parallel_loop3A_152 : vector<16xf32>
      %parallel_loop3A_154 = arith.index_cast %parallel_loop3A_88 : i32 to index
      %parallel_loop3A_155 = arith.constant 64 : index
      %parallel_loop3A_156 = tpu.vector_load %arg15[%parallel_loop3A_154, %parallel_loop3A_155] {strides = array<i32>} : memref<80x128xf32, #tpu.memory_space<vmem>>, vector<1x16xf32>,
      %parallel_loop3A_157 = vector.shape_cast %parallel_loop3A_156 : vector<1x16xf32> to vector<16xf32>
      %parallel_loop3A_158 = vector.shape_cast %parallel_loop3A_153 : vector<16xf32> to vector<1x16xf32>
      tpu.vector_store %arg15[%parallel_loop3A_154, %parallel_loop3A_155], %parallel_loop3A_158 {strides = array<i32>} : memref<80x128xf32, #tpu.memory_space<vmem>>, vector<1x16xf32>,
      %parallel_loop3A_159 = arith.index_cast %parallel_loop3A_88 : i32 to index
      %parallel_loop3A_160 = arith.constant 80 : index
      %parallel_loop3A_161 = tpu.vector_load %arg15[%parallel_loop3A_159, %parallel_loop3A_160] {strides = array<i32>} : memref<80x128xf32, #tpu.memory_space<vmem>>, vector<1x16xf32>,
      %parallel_loop3A_162 = vector.shape_cast %parallel_loop3A_161 : vector<1x16xf32> to vector<16xf32>
      %parallel_loop3A_163 = arith.index_cast %parallel_loop3A_88 : i32 to index
      %parallel_loop3A_164 = arith.constant 80 : index
      %parallel_loop3A_165 = tpu.vector_load %arg17[%parallel_loop3A_163, %parallel_loop3A_164] {strides = array<i32>} : memref<80x128xf32, #tpu.memory_space<vmem>>, vector<1x16xf32>,
      %parallel_loop3A_166 = vector.shape_cast %parallel_loop3A_165 : vector<1x16xf32> to vector<16xf32>
      %parallel_loop3A_167 = arith.mulf %parallel_loop3A_162, %parallel_loop3A_166 : vector<16xf32>
      %parallel_loop3A_168 = arith.index_cast %parallel_loop3A_88 : i32 to index
      %parallel_loop3A_169 = arith.constant 80 : index
      %parallel_loop3A_170 = tpu.vector_load %arg15[%parallel_loop3A_168, %parallel_loop3A_169] {strides = array<i32>} : memref<80x128xf32, #tpu.memory_space<vmem>>, vector<1x16xf32>,
      %parallel_loop3A_171 = vector.shape_cast %parallel_loop3A_170 : vector<1x16xf32> to vector<16xf32>
      %parallel_loop3A_172 = vector.shape_cast %parallel_loop3A_167 : vector<16xf32> to vector<1x16xf32>
      tpu.vector_store %arg15[%parallel_loop3A_168, %parallel_loop3A_169], %parallel_loop3A_172 {strides = array<i32>} : memref<80x128xf32, #tpu.memory_space<vmem>>, vector<1x16xf32>,
      %parallel_loop3A_173 = arith.index_cast %parallel_loop3A_88 : i32 to index
      %parallel_loop3A_174 = arith.constant 96 : index
      %parallel_loop3A_175 = tpu.vector_load %arg15[%parallel_loop3A_173, %parallel_loop3A_174] {strides = array<i32>} : memref<80x128xf32, #tpu.memory_space<vmem>>, vector<1x16xf32>,
      %parallel_loop3A_176 = vector.shape_cast %parallel_loop3A_175 : vector<1x16xf32> to vector<16xf32>
      %parallel_loop3A_177 = arith.index_cast %parallel_loop3A_88 : i32 to index
      %parallel_loop3A_178 = arith.constant 96 : index
      %parallel_loop3A_179 = tpu.vector_load %arg17[%parallel_loop3A_177, %parallel_loop3A_178] {strides = array<i32>} : memref<80x128xf32, #tpu.memory_space<vmem>>, vector<1x16xf32>,
      %parallel_loop3A_180 = vector.shape_cast %parallel_loop3A_179 : vector<1x16xf32> to vector<16xf32>
      %parallel_loop3A_181 = arith.mulf %parallel_loop3A_176, %parallel_loop3A_180 : vector<16xf32>
      %parallel_loop3A_182 = arith.index_cast %parallel_loop3A_88 : i32 to index
      %parallel_loop3A_183 = arith.constant 96 : index
      %parallel_loop3A_184 = tpu.vector_load %arg15[%parallel_loop3A_182, %parallel_loop3A_183] {strides = array<i32>} : memref<80x128xf32, #tpu.memory_space<vmem>>, vector<1x16xf32>,
      %parallel_loop3A_185 = vector.shape_cast %parallel_loop3A_184 : vector<1x16xf32> to vector<16xf32>
      %parallel_loop3A_186 = vector.shape_cast %parallel_loop3A_181 : vector<16xf32> to vector<1x16xf32>
      tpu.vector_store %arg15[%parallel_loop3A_182, %parallel_loop3A_183], %parallel_loop3A_186 {strides = array<i32>} : memref<80x128xf32, #tpu.memory_space<vmem>>, vector<1x16xf32>,
      %parallel_loop3A_187 = arith.index_cast %parallel_loop3A_88 : i32 to index
      %parallel_loop3A_188 = arith.constant 112 : index
      %parallel_loop3A_189 = tpu.vector_load %arg15[%parallel_loop3A_187, %parallel_loop3A_188] {strides = array<i32>} : memref<80x128xf32, #tpu.memory_space<vmem>>, vector<1x16xf32>,
      %parallel_loop3A_190 = vector.shape_cast %parallel_loop3A_189 : vector<1x16xf32> to vector<16xf32>
      %parallel_loop3A_191 = arith.index_cast %parallel_loop3A_88 : i32 to index
      %parallel_loop3A_192 = arith.constant 112 : index
      %parallel_loop3A_193 = tpu.vector_load %arg17[%parallel_loop3A_191, %parallel_loop3A_192] {strides = array<i32>} : memref<80x128xf32, #tpu.memory_space<vmem>>, vector<1x16xf32>,
      %parallel_loop3A_194 = vector.shape_cast %parallel_loop3A_193 : vector<1x16xf32> to vector<16xf32>
      %parallel_loop3A_195 = arith.mulf %parallel_loop3A_190, %parallel_loop3A_194 : vector<16xf32>
      %parallel_loop3A_196 = arith.index_cast %parallel_loop3A_88 : i32 to index
      %parallel_loop3A_197 = arith.constant 112 : index
      %parallel_loop3A_198 = tpu.vector_load %arg15[%parallel_loop3A_196, %parallel_loop3A_197] {strides = array<i32>} : memref<80x128xf32, #tpu.memory_space<vmem>>, vector<1x16xf32>,
      %parallel_loop3A_199 = vector.shape_cast %parallel_loop3A_198 : vector<1x16xf32> to vector<16xf32>
      %parallel_loop3A_200 = vector.shape_cast %parallel_loop3A_195 : vector<16xf32> to vector<1x16xf32>
      tpu.vector_store %arg15[%parallel_loop3A_196, %parallel_loop3A_197], %parallel_loop3A_200 {strides = array<i32>} : memref<80x128xf32, #tpu.memory_space<vmem>>, vector<1x16xf32>,
    } {sc.loop_unroll_factor = 1 : i64, sc.parallel_access}
    %dma_wait3A_78 = tpu.memref_slice %arg5[%add3A_68] : memref<320000xi32, #tpu.memory_space<hbm>> -> memref<80xi32, #tpu.memory_space<hbm>>
    %dma_wait3A_79 = tpu.memref_slice %arg5[%add3A_68] : memref<320000xi32, #tpu.memory_space<hbm>> -> memref<80xi32, #tpu.memory_space<hbm>>
    tpu.wait_dma2 semaphore(%arg28 : memref<!tpu.dma_semaphore, #tpu.memory_space<semaphore_mem>>) src(%dma_wait3A_79 : memref<80xi32, #tpu.memory_space<hbm>>) dst(%arg11 : memref<80xi32, #tpu.memory_space<vmem>>)
    "tpu.region"() ({
      %run_scoped3A = tpu.sem_alloc : memref<!tpu.dma_semaphore, #tpu.memory_space<semaphore_mem>>
      %dma_start3A_88 = arith.constant 0 : i32
      %dma_start3A_89 = arith.constant 0 : i32
      %dma_start3A_90 = tpu.memref_slice %arg19[%dma_start3A_88, %dma_start3A_89] : memref<10240x128xf32, #tpu.memory_space<vmem_shared>> -> memref<10240x128xf32, #tpu.memory_space<vmem_shared>>
      tpu.enqueue_indirect_dma source(%arg15 : memref<80x128xf32, #tpu.memory_space<vmem>>) target(%dma_start3A_90 : memref<10240x128xf32, #tpu.memory_space<vmem_shared>>) offsets(%arg11 : memref<80xi32, #tpu.memory_space<vmem>>) semaphore(%run_scoped3A : memref<!tpu.dma_semaphore, #tpu.memory_space<semaphore_mem>>) {add = true}
      %dma_wait3A_91 = arith.constant 0 : i32
      %dma_wait3A_92 = arith.constant 0 : i32
      %dma_wait3A_93 = tpu.memref_slice %arg19[%dma_wait3A_91, %dma_wait3A_92] : memref<10240x128xf32, #tpu.memory_space<vmem_shared>> -> memref<10240x128xf32, #tpu.memory_space<vmem_shared>>
      tpu.wait_indirect_dma semaphore(%run_scoped3A : memref<!tpu.dma_semaphore, #tpu.memory_space<semaphore_mem>>) src(%arg15 : memref<80x128xf32, #tpu.memory_space<vmem>>) dst(%dma_wait3A_93 : memref<10240x128xf32, #tpu.memory_space<vmem_shared>>)
      tpu.yield
    }) : () -> ()
    %barrier3A_80 = arith.constant 0 : index
    tpu.barrier barrier_id(%barrier3A_80)
    %scan3A_81 = arith.constant 0 : i32
    %scan3A_82 = arith.constant 0 : i32
    %scan3A_83 = arith.constant 8 : i32
    %scan3A_84 = arith.addi %scan3A_82, %scan3A_83 : i32
    %scan3A_85 = arith.constant 1 : i32
    %scan3A_86 = scf.for %scan3A_88 = %scan3A_82 to %scan3A_84 step %scan3A_85 iter_args(%scan3A_89 = %scan3A_81) -> (i32)  : i32 {
      %mul3A_90 = arith.constant 640 : i32
      %mul3A_91 = arith.muli %arg1, %mul3A_90 : i32
      %mul3A_92 = arith.constant 80 : i32
      %mul3A_93 = arith.muli %scan3A_88, %mul3A_92 : i32
      %add3A_94 = arith.addi %mul3A_91, %mul3A_93 : i32
      "tpu.region"() ({
        %run_scoped3A = tpu.sem_alloc : memref<!tpu.dma_semaphore, #tpu.memory_space<semaphore_mem>>
        %dma_start3A_96 = arith.constant 0 : i32
        %dma_start3A_97 = tpu.memref_slice %arg6[%arg0, %add3A_94, %dma_start3A_96] : memref<2x10240x128xf32, #tpu.memory_space<hbm>> -> memref<1x80x128xf32, #tpu.memory_space<hbm>>
        %dma_start3A_98 = tpu.memref_squeeze %dma_start3A_97 : memref<1x80x128xf32, #tpu.memory_space<hbm>> -> memref<80x128xf32, #tpu.memory_space<hbm>>
        %dma_start3A_99 = arith.constant 0 : i32
        %dma_start3A_100 = tpu.memref_slice %arg19[%add3A_94, %dma_start3A_99] : memref<10240x128xf32, #tpu.memory_space<vmem_shared>> -> memref<80x128xf32, #tpu.memory_space<vmem_shared>>
        tpu.enqueue_dma source(%dma_start3A_100 : memref<80x128xf32, #tpu.memory_space<vmem_shared>>) target(%dma_start3A_98 : memref<80x128xf32, #tpu.memory_space<hbm>>) target_semaphore(%run_scoped3A : memref<!tpu.dma_semaphore, #tpu.memory_space<semaphore_mem>>)
        %dma_wait3A_101 = arith.constant 0 : i32
        %dma_wait3A_102 = tpu.memref_slice %arg6[%arg0, %add3A_94, %dma_wait3A_101] : memref<2x10240x128xf32, #tpu.memory_space<hbm>> -> memref<1x80x128xf32, #tpu.memory_space<hbm>>
        %dma_wait3A_103 = tpu.memref_squeeze %dma_wait3A_102 : memref<1x80x128xf32, #tpu.memory_space<hbm>> -> memref<80x128xf32, #tpu.memory_space<hbm>>
        %dma_wait3A_104 = arith.constant 0 : i32
        %dma_wait3A_105 = tpu.memref_slice %arg19[%add3A_94, %dma_wait3A_104] : memref<10240x128xf32, #tpu.memory_space<vmem_shared>> -> memref<80x128xf32, #tpu.memory_space<vmem_shared>>
        tpu.wait_dma2 semaphore(%run_scoped3A : memref<!tpu.dma_semaphore, #tpu.memory_space<semaphore_mem>>) src(%dma_wait3A_105 : memref<80x128xf32, #tpu.memory_space<vmem_shared>>) dst(%dma_wait3A_103 : memref<80x128xf32, #tpu.memory_space<hbm>>)
        tpu.yield
      }) : () -> ()
      %scan3A_95 = arith.constant 0 : i32
      scf.yield %scan3A_95 : i32
    }
    %scan3A_87 = arith.constant 8 : i32
    return
  }
}

module attributes {stable_mosaic.version = 14 : i64} {
  func.func @_filter_body(%arg0: i32, %arg1: memref<8000x16xf32, #tpu.memory_space<vmem>>, %arg2: memref<128x16xf32, #tpu.memory_space<vmem>>, %arg3: memref<128x128xf32, #tpu.memory_space<vmem>>, %arg4: memref<1x128xf32, #tpu.memory_space<vmem>>, %arg5: memref<2000x128xf32, #tpu.memory_space<vmem>>, %arg6: memref<128x128xf32, #tpu.memory_space<vmem>>, %arg7: memref<1x128xf32, #tpu.memory_space<vmem>>, %arg8: memref<8000x128xf32, #tpu.memory_space<vmem>>, %arg9: memref<2000x128xf32, #tpu.memory_space<vmem>>) attributes {dimension_semantics = [#tpu.dimension_semantics<arbitrary>], iteration_bounds = array<i64: 40>, scalar_prefetch = 0 : i64, scratch_operands = 0 : i64, tpu.core_type = #tpu.core_type<tc>, window_params = [{transform_indices = @transform_0, window_bounds = array<i64: 8000, 16>}, {pipeline_mode = #tpu.pipeline_mode<synchronous>, transform_indices = @transform_1, window_bounds = array<i64: 128, 16>}, {pipeline_mode = #tpu.pipeline_mode<synchronous>, transform_indices = @transform_2, window_bounds = array<i64: 128, 128>}, {pipeline_mode = #tpu.pipeline_mode<synchronous>, transform_indices = @transform_3, window_bounds = array<i64: 1, 128>}, {transform_indices = @transform_4, window_bounds = array<i64: 2000, 128>}, {pipeline_mode = #tpu.pipeline_mode<synchronous>, transform_indices = @transform_5, window_bounds = array<i64: 128, 128>}, {pipeline_mode = #tpu.pipeline_mode<synchronous>, transform_indices = @transform_6, window_bounds = array<i64: 1, 128>}, {transform_indices = @transform_7, window_bounds = array<i64: 8000, 128>}, {transform_indices = @transform_8, window_bounds = array<i64: 2000, 128>}]} {
    %lt3A = arith.constant 5 : i32
    %lt3A_0 = arith.cmpi slt, %arg0, %lt3A : i32
    %convert_element_type3A = arith.extui %lt3A_0 : i1 to i32
    %cond3A = arith.constant 0 : i32
    %cond3A_1 = arith.cmpi ne, %convert_element_type3A, %cond3A : i32
    scf.if %cond3A_1 {
      %get3A_39 = arith.constant 0 : index
      %get3A_40 = arith.constant 0 : index
      %get3A_41 = vector.load %arg5[%get3A_39, %get3A_40] : memref<2000x128xf32, #tpu.memory_space<vmem>>, vector<2000x128xf32>
      %get3A_42 = arith.constant 0 : index
      %get3A_43 = arith.constant 0 : index
      %get3A_44 = vector.load %arg6[%get3A_42, %get3A_43] : memref<128x128xf32, #tpu.memory_space<vmem>>, vector<128x128xf32>
      %dot_general3A_45 = arith.constant dense<0.000000e+00> : vector<2000x128xf32>
      %dot_general3A_46 = tpu.matmul %get3A_41, %get3A_44, %dot_general3A_45 {dimension_numbers = #tpu.dot_dimension_numbers<[1], [1], [0], [0], [0, 0, 1, 0], [], []>, transpose_lhs_hint = false} : vector<2000x128xf32>, vector<128x128xf32>, vector<2000x128xf32> -> vector<2000x128xf32>
      %get3A_47 = arith.constant 0 : index
      %get3A_48 = arith.constant 0 : index
      %get3A_49 = vector.load %arg7[%get3A_47, %get3A_48] : memref<1x128xf32, #tpu.memory_space<vmem>>, vector<1x128xf32>
      %add3A_50 = vector.broadcast %get3A_49 : vector<1x128xf32> to vector<2000x128xf32>
      %add3A_51 = arith.addf %dot_general3A_46, %add3A_50 : vector<2000x128xf32>
      %swap3A_52 = arith.constant 0 : index
      %swap3A_53 = arith.constant 0 : index
      %swap3A_54 = vector.load %arg9[%swap3A_52, %swap3A_53] : memref<2000x128xf32, #tpu.memory_space<vmem>>, vector<2000x128xf32>
      tpu.vector_store %arg9[%swap3A_52, %swap3A_53], %add3A_51 {strides = array<i32>} : memref<2000x128xf32, #tpu.memory_space<vmem>>, vector<2000x128xf32>,
    } else {
    }
    %get3A = arith.constant 0 : index
    %get3A_2 = arith.constant 0 : index
    %get3A_3 = vector.load %arg1[%get3A, %get3A_2] : memref<8000x16xf32, #tpu.memory_space<vmem>>, vector<8000x16xf32>
    %get3A_4 = arith.constant 0 : index
    %get3A_5 = arith.constant 0 : index
    %get3A_6 = vector.load %arg2[%get3A_4, %get3A_5] : memref<128x16xf32, #tpu.memory_space<vmem>>, vector<128x16xf32>
    %dot_general3A = arith.constant dense<0.000000e+00> : vector<8000x128xf32>
    %dot_general3A_7 = tpu.matmul %get3A_3, %get3A_6, %dot_general3A {dimension_numbers = #tpu.dot_dimension_numbers<[1], [1], [0], [0], [0, 0, 1, 0], [], []>, transpose_lhs_hint = false} : vector<8000x16xf32>, vector<128x16xf32>, vector<8000x128xf32> -> vector<8000x128xf32>
    %max3A = arith.constant 0.000000e+00 : f32
    %max3A_8 = vector.broadcast %max3A : f32 to vector<8000x128xf32>
    %max3A_9 = arith.maximumf %dot_general3A_7, %max3A_8 : vector<8000x128xf32>
    %abs3A = math.absf %dot_general3A_7 : vector<8000x128xf32>
    %neg3A = arith.constant 0.000000e+00 : f32
    %neg3A_10 = vector.broadcast %neg3A : f32 to vector<8000x128xf32>
    %neg3A_11 = arith.subf %neg3A_10, %abs3A : vector<8000x128xf32>
    %exp3A = math.exp %neg3A_11 : vector<8000x128xf32>
    %log1p3A = math.log1p %exp3A : vector<8000x128xf32>
    %add3A = arith.addf %max3A_9, %log1p3A : vector<8000x128xf32>
    %sub3A = arith.constant 0.693147182 : f32
    %sub3A_12 = vector.broadcast %sub3A : f32 to vector<8000x128xf32>
    %sub3A_13 = arith.subf %add3A, %sub3A_12 : vector<8000x128xf32>
    %get3A_14 = arith.constant 0 : index
    %get3A_15 = arith.constant 0 : index
    %get3A_16 = vector.load %arg3[%get3A_14, %get3A_15] : memref<128x128xf32, #tpu.memory_space<vmem>>, vector<128x128xf32>
    %dot_general3A_17 = arith.constant dense<0.000000e+00> : vector<8000x128xf32>
    %dot_general3A_18 = tpu.matmul %sub3A_13, %get3A_16, %dot_general3A_17 {dimension_numbers = #tpu.dot_dimension_numbers<[1], [1], [0], [0], [0, 0, 1, 0], [], []>, transpose_lhs_hint = false} : vector<8000x128xf32>, vector<128x128xf32>, vector<8000x128xf32> -> vector<8000x128xf32>
    %get3A_19 = arith.constant 0 : index
    %get3A_20 = arith.constant 0 : index
    %get3A_21 = vector.load %arg4[%get3A_19, %get3A_20] : memref<1x128xf32, #tpu.memory_space<vmem>>, vector<1x128xf32>
    %add3A_22 = vector.broadcast %get3A_21 : vector<1x128xf32> to vector<8000x128xf32>
    %add3A_23 = arith.addf %dot_general3A_18, %add3A_22 : vector<8000x128xf32>
    %max3A_24 = arith.constant 0.000000e+00 : f32
    %max3A_25 = vector.broadcast %max3A_24 : f32 to vector<8000x128xf32>
    %max3A_26 = arith.maximumf %add3A_23, %max3A_25 : vector<8000x128xf32>
    %abs3A_27 = math.absf %add3A_23 : vector<8000x128xf32>
    %neg3A_28 = arith.constant 0.000000e+00 : f32
    %neg3A_29 = vector.broadcast %neg3A_28 : f32 to vector<8000x128xf32>
    %neg3A_30 = arith.subf %neg3A_29, %abs3A_27 : vector<8000x128xf32>
    %exp3A_31 = math.exp %neg3A_30 : vector<8000x128xf32>
    %log1p3A_32 = math.log1p %exp3A_31 : vector<8000x128xf32>
    %add3A_33 = arith.addf %max3A_26, %log1p3A_32 : vector<8000x128xf32>
    %sub3A_34 = arith.constant 0.693147182 : f32
    %sub3A_35 = vector.broadcast %sub3A_34 : f32 to vector<8000x128xf32>
    %sub3A_36 = arith.subf %add3A_33, %sub3A_35 : vector<8000x128xf32>
    %swap3A = arith.constant 0 : index
    %swap3A_37 = arith.constant 0 : index
    %swap3A_38 = vector.load %arg8[%swap3A, %swap3A_37] : memref<8000x128xf32, #tpu.memory_space<vmem>>, vector<8000x128xf32>
    tpu.vector_store %arg8[%swap3A, %swap3A_37], %sub3A_36 {strides = array<i32>} : memref<8000x128xf32, #tpu.memory_space<vmem>>, vector<8000x128xf32>,
    return
  }
  func.func @transform_0(%arg0: i32) -> (i32, i32) {
    %c0_i32 = arith.constant 0 : i32
    %c0_i32_0 = arith.constant 0 : i32
    return %arg0, %c0_i32 : i32, i32
  }
  func.func @transform_1(%arg0: i32) -> (i32, i32) {
    %c0_i32 = arith.constant 0 : i32
    %c0_i32_0 = arith.constant 0 : i32
    %c0_i32_1 = arith.constant 0 : i32
    return %c0_i32, %c0_i32_0 : i32, i32
  }
  func.func @transform_2(%arg0: i32) -> (i32, i32) {
    %c0_i32 = arith.constant 0 : i32
    %c0_i32_0 = arith.constant 0 : i32
    %c0_i32_1 = arith.constant 0 : i32
    return %c0_i32, %c0_i32_0 : i32, i32
  }
  func.func @transform_3(%arg0: i32) -> (i32, i32) {
    %c0_i32 = arith.constant 0 : i32
    %c0_i32_0 = arith.constant 0 : i32
    %c0_i32_1 = arith.constant 0 : i32
    return %c0_i32, %c0_i32_0 : i32, i32
  }
  func.func @transform_4(%arg0: i32) -> (i32, i32) {
    %min3A = arith.constant 4 : i32
    %min3A_0 = arith.minsi %arg0, %min3A : i32
    %c0_i32 = arith.constant 0 : i32
    %c0_i32_1 = arith.constant 0 : i32
    return %min3A_0, %c0_i32 : i32, i32
  }
  func.func @transform_5(%arg0: i32) -> (i32, i32) {
    %c0_i32 = arith.constant 0 : i32
    %c0_i32_0 = arith.constant 0 : i32
    %c0_i32_1 = arith.constant 0 : i32
    return %c0_i32, %c0_i32_0 : i32, i32
  }
  func.func @transform_6(%arg0: i32) -> (i32, i32) {
    %c0_i32 = arith.constant 0 : i32
    %c0_i32_0 = arith.constant 0 : i32
    %c0_i32_1 = arith.constant 0 : i32
    return %c0_i32, %c0_i32_0 : i32, i32
  }
  func.func @transform_7(%arg0: i32) -> (i32, i32) {
    %c0_i32 = arith.constant 0 : i32
    %c0_i32_0 = arith.constant 0 : i32
    return %arg0, %c0_i32 : i32, i32
  }
  func.func @transform_8(%arg0: i32) -> (i32, i32) {
    %min3A = arith.constant 4 : i32
    %min3A_0 = arith.minsi %arg0, %min3A : i32
    %c0_i32 = arith.constant 0 : i32
    %c0_i32_1 = arith.constant 0 : i32
    return %min3A_0, %c0_i32 : i32, i32
  }
}

module attributes {stable_mosaic.version = 14 : i64} {
  func.func @_post_body(%arg0: i32, %arg1: memref<2000x128xf32, #tpu.memory_space<vmem>>, %arg2: memref<2x2000x128xf32, #tpu.memory_space<vmem>>, %arg3: memref<128x128xf32, #tpu.memory_space<vmem>>, %arg4: memref<1x128xf32, #tpu.memory_space<vmem>>, %arg5: memref<128x128xf32, #tpu.memory_space<vmem>>, %arg6: memref<1x128xf32, #tpu.memory_space<vmem>>, %arg7: memref<2000x128xf32, #tpu.memory_space<vmem>>) attributes {dimension_semantics = [#tpu.dimension_semantics<arbitrary>], iteration_bounds = array<i64: 5>, scalar_prefetch = 0 : i64, scratch_operands = 0 : i64, tpu.core_type = #tpu.core_type<tc>, window_params = [{transform_indices = @transform_0, window_bounds = array<i64: 2000, 128>}, {transform_indices = @transform_1, window_bounds = array<i64: 2, 2000, 128>}, {pipeline_mode = #tpu.pipeline_mode<synchronous>, transform_indices = @transform_2, window_bounds = array<i64: 128, 128>}, {pipeline_mode = #tpu.pipeline_mode<synchronous>, transform_indices = @transform_3, window_bounds = array<i64: 1, 128>}, {pipeline_mode = #tpu.pipeline_mode<synchronous>, transform_indices = @transform_4, window_bounds = array<i64: 128, 128>}, {pipeline_mode = #tpu.pipeline_mode<synchronous>, transform_indices = @transform_5, window_bounds = array<i64: 1, 128>}, {transform_indices = @transform_6, window_bounds = array<i64: 2000, 128>}]} {
    %get3A = arith.constant 0 : index
    %get3A_0 = arith.constant 0 : index
    %get3A_1 = arith.constant 0 : index
    %get3A_2 = vector.load %arg2[%get3A, %get3A_0, %get3A_1] : memref<2x2000x128xf32, #tpu.memory_space<vmem>>, vector<1x2000x128xf32>
    %get3A_3 = vector.shape_cast %get3A_2 : vector<1x2000x128xf32> to vector<2000x128xf32>
    %get3A_4 = arith.constant 1 : index
    %get3A_5 = arith.constant 0 : index
    %get3A_6 = arith.constant 0 : index
    %get3A_7 = vector.load %arg2[%get3A_4, %get3A_5, %get3A_6] : memref<2x2000x128xf32, #tpu.memory_space<vmem>>, vector<1x2000x128xf32>
    %get3A_8 = vector.shape_cast %get3A_7 : vector<1x2000x128xf32> to vector<2000x128xf32>
    %add3A = arith.addf %get3A_3, %get3A_8 : vector<2000x128xf32>
    %get3A_9 = arith.constant 0 : index
    %get3A_10 = arith.constant 0 : index
    %get3A_11 = vector.load %arg3[%get3A_9, %get3A_10] : memref<128x128xf32, #tpu.memory_space<vmem>>, vector<128x128xf32>
    %dot_general3A = arith.constant dense<0.000000e+00> : vector<2000x128xf32>
    %dot_general3A_12 = tpu.matmul %add3A, %get3A_11, %dot_general3A {dimension_numbers = #tpu.dot_dimension_numbers<[1], [1], [0], [0], [0, 0, 1, 0], [], []>, transpose_lhs_hint = false} : vector<2000x128xf32>, vector<128x128xf32>, vector<2000x128xf32> -> vector<2000x128xf32>
    %get3A_13 = arith.constant 0 : index
    %get3A_14 = arith.constant 0 : index
    %get3A_15 = vector.load %arg4[%get3A_13, %get3A_14] : memref<1x128xf32, #tpu.memory_space<vmem>>, vector<1x128xf32>
    %add3A_16 = vector.broadcast %get3A_15 : vector<1x128xf32> to vector<2000x128xf32>
    %add3A_17 = arith.addf %dot_general3A_12, %add3A_16 : vector<2000x128xf32>
    %max3A = arith.constant 0.000000e+00 : f32
    %max3A_18 = vector.broadcast %max3A : f32 to vector<2000x128xf32>
    %max3A_19 = arith.maximumf %add3A_17, %max3A_18 : vector<2000x128xf32>
    %abs3A = math.absf %add3A_17 : vector<2000x128xf32>
    %neg3A = arith.constant 0.000000e+00 : f32
    %neg3A_20 = vector.broadcast %neg3A : f32 to vector<2000x128xf32>
    %neg3A_21 = arith.subf %neg3A_20, %abs3A : vector<2000x128xf32>
    %exp3A = math.exp %neg3A_21 : vector<2000x128xf32>
    %log1p3A = math.log1p %exp3A : vector<2000x128xf32>
    %add3A_22 = arith.addf %max3A_19, %log1p3A : vector<2000x128xf32>
    %sub3A = arith.constant 0.693147182 : f32
    %sub3A_23 = vector.broadcast %sub3A : f32 to vector<2000x128xf32>
    %sub3A_24 = arith.subf %add3A_22, %sub3A_23 : vector<2000x128xf32>
    %get3A_25 = arith.constant 0 : index
    %get3A_26 = arith.constant 0 : index
    %get3A_27 = vector.load %arg1[%get3A_25, %get3A_26] : memref<2000x128xf32, #tpu.memory_space<vmem>>, vector<2000x128xf32>
    %get3A_28 = arith.constant 0 : index
    %get3A_29 = arith.constant 0 : index
    %get3A_30 = vector.load %arg5[%get3A_28, %get3A_29] : memref<128x128xf32, #tpu.memory_space<vmem>>, vector<128x128xf32>
    %dot_general3A_31 = arith.constant dense<0.000000e+00> : vector<2000x128xf32>
    %dot_general3A_32 = tpu.matmul %sub3A_24, %get3A_30, %dot_general3A_31 {dimension_numbers = #tpu.dot_dimension_numbers<[1], [1], [0], [0], [0, 0, 1, 0], [], []>, transpose_lhs_hint = false} : vector<2000x128xf32>, vector<128x128xf32>, vector<2000x128xf32> -> vector<2000x128xf32>
    %add3A_33 = arith.addf %get3A_27, %dot_general3A_32 : vector<2000x128xf32>
    %get3A_34 = arith.constant 0 : index
    %get3A_35 = arith.constant 0 : index
    %get3A_36 = vector.load %arg6[%get3A_34, %get3A_35] : memref<1x128xf32, #tpu.memory_space<vmem>>, vector<1x128xf32>
    %add3A_37 = vector.broadcast %get3A_36 : vector<1x128xf32> to vector<2000x128xf32>
    %add3A_38 = arith.addf %add3A_33, %add3A_37 : vector<2000x128xf32>
    %swap3A = arith.constant 0 : index
    %swap3A_39 = arith.constant 0 : index
    %swap3A_40 = vector.load %arg7[%swap3A, %swap3A_39] : memref<2000x128xf32, #tpu.memory_space<vmem>>, vector<2000x128xf32>
    tpu.vector_store %arg7[%swap3A, %swap3A_39], %add3A_38 {strides = array<i32>} : memref<2000x128xf32, #tpu.memory_space<vmem>>, vector<2000x128xf32>,
    return
  }
  func.func @transform_0(%arg0: i32) -> (i32, i32) {
    %c0_i32 = arith.constant 0 : i32
    %c0_i32_0 = arith.constant 0 : i32
    return %arg0, %c0_i32 : i32, i32
  }
  func.func @transform_1(%arg0: i32) -> (i32, i32, i32) {
    %c0_i32 = arith.constant 0 : i32
    %c0_i32_0 = arith.constant 0 : i32
    %c0_i32_1 = arith.constant 0 : i32
    return %c0_i32, %arg0, %c0_i32_0 : i32, i32, i32
  }
  func.func @transform_2(%arg0: i32) -> (i32, i32) {
    %c0_i32 = arith.constant 0 : i32
    %c0_i32_0 = arith.constant 0 : i32
    %c0_i32_1 = arith.constant 0 : i32
    return %c0_i32, %c0_i32_0 : i32, i32
  }
  func.func @transform_3(%arg0: i32) -> (i32, i32) {
    %c0_i32 = arith.constant 0 : i32
    %c0_i32_0 = arith.constant 0 : i32
    %c0_i32_1 = arith.constant 0 : i32
    return %c0_i32, %c0_i32_0 : i32, i32
  }
  func.func @transform_4(%arg0: i32) -> (i32, i32) {
    %c0_i32 = arith.constant 0 : i32
    %c0_i32_0 = arith.constant 0 : i32
    %c0_i32_1 = arith.constant 0 : i32
    return %c0_i32, %c0_i32_0 : i32, i32
  }
  func.func @transform_5(%arg0: i32) -> (i32, i32) {
    %c0_i32 = arith.constant 0 : i32
    %c0_i32_0 = arith.constant 0 : i32
    %c0_i32_1 = arith.constant 0 : i32
    return %c0_i32, %c0_i32_0 : i32, i32
  }
  func.func @transform_6(%arg0: i32) -> (i32, i32) {
    %c0_i32 = arith.constant 0 : i32
    %c0_i32_0 = arith.constant 0 : i32
    return %arg0, %c0_i32 : i32, i32
  }
}

</mosaic_0001>

<sc_bundles>
// kernel: _run.5.cloned.1.call-start
scs
__scs_entry_jumppad:
0x0: {  	(pc) =	sbr.rel $0x88, $3  }
0x1: {  	(tag) =	ssettag $0x0;
	lr =	simm.s32 $0x1  }
0x2: {  	[smem:$0x3F95] =	sst lr;
	_ =	strace $0xD0000000  }
0x3: {  	_ = 	snop  }
0x4: {  	_ = 	snop  }
0x5: {  	_ = 	snop  }
0x6: {  	_ = 	snop  }
0x7: {  	_ = 	snop  }
__scs_overlays_trampoline_lowered:
0x8: {  	[smem:$0x3FA4] =	sst s0  }
0x9: {  	[smem:$0x3FA5] =	sst s1  }
0xa: {  	[smem:$0x3FA6] =	sst s2  }
0xb: {  	[smem:$0x3FA7] =	sst s3  }
0xc: {  	[smem:$0x3FA8] =	sst s4  }
0xd: {  	[smem:$0x3FA9] =	sst s5  }
0xe: {  	[smem:$0x3FAA] =	sst s6  }
0xf: {  	[smem:$0x3FAB] =	sst s7  }
0x10: {  	[smem:$0x3FAC] =	sst s8  }
0x11: {  	[smem:$0x3FAD] =	sst s9;
	s0 =	simm.s32 @!p0 $0x0  }
0x12: {  	s1 =	sld [smem:$0x3F93];
	s0 =	simm.s32 @p0 $0x1  }
0x13: {  	[smem:$0x3FAE] =	sst s0;
	s0 =	simm.s32 @!p1 $0x0  }
0x14: {  	s2 =	sld [smem:$0x3F92];
	s0 =	simm.s32 @p1 $0x1  }
0x15: {  	[smem:$0x3FAF] =	sst s0;
	s0 =	simm.s32 @!p2 $0x0  }
0x16: {  	s3 =	sld [smem:$0x3FDB];
	s0 =	simm.s32 @p2 $0x1  }
0x17: {  	s4 =	simm.s32 $0x1BF5;
	[smem:$0x3FB1] =	sst s0  }
0x18: {  	s0 =	sld [smem:$0x3F94];
	_ =	swait.ge [sflag:s4], $0x0  }
0x19: {  	s7 =	sld [smem:$0x3F95]  }
0x1a: {  	s8 =	sadd.s32 $0xFFFFE003, lr  }
0x1b: {  	s9 =	sadd.s32 $0xFFFFFEF7, lr;
	s5 =	simm.s32 $0xFFFFFFFF;
	p2 =	slt.u32 s8, $0xFFFFF086  }
0x1c: {  	p1 =	slt.u32 s9, $0xF7A;
	s5 =	simm.s32 @!p2 $0x0  }
0x1d: {  	s5 =	simm.s32 @p1 $0x1;
	p0 =	seq.s32 s7, s2  }
0x1e: {  	s7 =	smul.u32 @!p0 $0xF7A, s2;
	p2 =	seq.s32 @!p0 s5, $0x0  }
0x1f: {  	s9 =	smul.u32 $0xF7A, s1;
	s8 =	simm.s32 @!p0 $0x1BF5;
	p2 =	por !p2, p0  }
0x20: {  	[sflag:s8] =	ssyncset.s32 @!p0 $0xFFFFF086;
	s6 =	sadd.s32 @!p0 s3, s7;
	s7 =	simm.s32 @!p0 $0x108  }
0x21: {  	s3 =	sadd.s32 s3, s9;
	s6 =	sadd.s32 @!p0 $0x88, s6;
	s7 =	simm.s32 @p2 $0x1082  }
0x22: {  	[simem:s7], [sflag:s8] =	dma.local @!p0 [hbm:s6], $0xF7A  }
0x23: {  	s9 =	sor.u32 $0xD0000000, s2;
	s6 =	simm.s32 $0x108;
	_ =	swait.ge @!p0 [sflag:s8], $0x0  }
0x24: {  	s3 =	sadd.s32 $0x88, s3;
	s6 =	simm.s32 @!p1 $0x1082;
	[sflag:s4] =	ssyncset.s32 $0xFFFFF086  }
0x25: {  	[simem:s6], [sflag:s4] =	dma.local [hbm:s3], $0xF7A  }
0x26: {  	[smem:$0x3F95] =	sst s1;
	(tag) =	ssettag s2;
	_ =	strace s9  }
0x27: {  	s1 =	sld [smem:$0x3FA5]  }
0x28: {  	s2 =	sld [smem:$0x3FA6]  }
0x29: {  	s4 =	sld [smem:$0x3FA8]  }
0x2a: {  	p0 =	seq.s32 s5, $0x0;
	s5 =	sld [smem:$0x3FA9]  }
0x2b: {  	s6 =	sld [smem:$0x3FAA]  }
0x2c: {  	s7 =	sld [smem:$0x3FAB]  }
0x2d: {  	s3 =	simm.s32 $0x108;
	s8 =	sld [smem:$0x3FAC]  }
0x2e: {  	s3 =	simm.s32 @!p0 $0x1082;
	s9 =	sld [smem:$0x3FAD]  }
0x2f: {  	lr =	sadd.s32 s0, s3;
	s0 =	sld [smem:$0x3FA4]  }
0x30: {  	s3 =	sld [smem:$0x3FA7]  }
0x31: {  	[smem:$0x3FB0] =	sst s10  }
0x32: {  	s10 =	sld [smem:$0x3FAE];
	_ =	sdelay $0x3  }
0x33: {  	p0 =	seq.s32 s10, $0x1;
	s10 =	sld [smem:$0x3FB0];
	_ =	sdelay $0x3  }
0x34: {  	[smem:$0x3FB0] =	sst s10  }
0x35: {  	s10 =	sld [smem:$0x3FAF];
	_ =	sdelay $0x3  }
0x36: {  	p1 =	seq.s32 s10, $0x1;
	s10 =	sld [smem:$0x3FB0];
	_ =	sdelay $0x3  }
0x37: {  	[smem:$0x3FB0] =	sst s10  }
0x38: {  	s10 =	sld [smem:$0x3FB1]  }
0x39: {  	_ = 	snop;
	(pc) =	sbr.ind lr, $3  }
0x3a: {  	_ = 	snop  }
0x3b: {  	_ = 	snop  }
0x3c: {  	p2 =	seq.s32 s10, $0x1;
	s10 =	sld [smem:$0x3FB0]  }
0x3d: {  	_ =	shalt  }
0x3e: {  	_ =	shalt  }
0x3f: {  	_ =	shalt  }
0x40: {  	_ =	shalt  }
0x41: {  	_ =	shalt  }
0x42: {  	_ =	shalt  }
0x43: {  	_ =	shalt  }
0x44: {  	_ =	shalt  }
0x45: {  	_ =	shalt  }
0x46: {  	_ =	shalt  }
0x47: {  	_ =	shalt  }
0x48: {  	_ =	shalt  }
0x49: {  	_ =	shalt  }
0x4a: {  	_ =	shalt  }
0x4b: {  	_ =	shalt  }
0x4c: {  	_ =	shalt  }
0x4d: {  	_ =	shalt  }
0x4e: {  	_ =	shalt  }
0x4f: {  	_ =	shalt  }
0x50: {  	_ =	shalt  }
0x51: {  	_ =	shalt  }
0x52: {  	_ =	shalt  }
0x53: {  	_ =	shalt  }
0x54: {  	_ =	shalt  }
0x55: {  	_ =	shalt  }
0x56: {  	_ =	shalt  }
0x57: {  	_ =	shalt  }
0x58: {  	_ =	shalt  }
0x59: {  	_ =	shalt  }
0x5a: {  	_ =	shalt  }
0x5b: {  	_ =	shalt  }
0x5c: {  	_ =	shalt  }
0x5d: {  	_ =	shalt  }
0x5e: {  	_ =	shalt  }
0x5f: {  	_ =	shalt  }
0x60: {  	_ =	shalt  }
0x61: {  	_ =	shalt  }
0x62: {  	_ =	shalt  }
0x63: {  	_ =	shalt  }
0x64: {  	_ =	shalt  }
0x65: {  	_ =	shalt  }
0x66: {  	_ =	shalt  }
0x67: {  	_ =	shalt  }
0x68: {  	_ =	shalt  }
0x69: {  	_ =	shalt  }
0x6a: {  	_ =	shalt  }
0x6b: {  	_ =	shalt  }
0x6c: {  	_ =	shalt  }
0x6d: {  	_ =	shalt  }
0x6e: {  	_ =	shalt  }
0x6f: {  	_ =	shalt  }
0x70: {  	_ =	shalt  }
0x71: {  	_ =	shalt  }
0x72: {  	_ =	shalt  }
0x73: {  	_ =	shalt  }
0x74: {  	_ =	shalt  }
0x75: {  	_ =	shalt  }
0x76: {  	_ =	shalt  }
0x77: {  	_ =	shalt  }
0x78: {  	_ =	shalt  }
0x79: {  	_ =	shalt  }
0x7a: {  	_ =	shalt  }
0x7b: {  	_ =	shalt  }
0x7c: {  	_ =	shalt  }
0x7d: {  	_ =	shalt  }
0x7e: {  	_ =	shalt  }
0x7f: {  	_ =	shalt  }
0x80: {  	_ =	shalt  }
0x81: {  	_ =	shalt  }
0x82: {  	_ =	shalt  }
0x83: {  	_ =	shalt  }
0x84: {  	_ =	shalt  }
0x85: {  	_ =	shalt  }
0x86: {  	_ =	shalt  }
0x87: {  	_ =	shalt  }
.Lfunc_end0:
.L_simem_size_0:
called_computation_lowered:
.L_overlay_start_0:
0x88: {  	s2 =	sld [smem:$0x3FD9]  }
0x89: {  	s3 =	sld [smem:$0x3FFE];
	_ =	sdelay $0x1  }
0x8a: {  	s1 =	srdreg.scid  }
0x8b: {  	s0 =	sand.u32 $0x1, s1  }
0x8c: {  	s17 =	sshll.u32 s0, $0xA;
	s2 =	sadd.s32 s3, s2  }
0x8d: {  	s2 =	sadd.s32 s2, s17  }
0x8e: {  	[smem:$0x3FBC] =	sst s2  }
0x8f: {  	_ = 	snop  }
0x90: {  	s2 =	sld [smem:$0x3FD0];
	(tm) =	ssettm $0x1  }
0x91: {  	s18 =	sld [smem:$0x3FFB];
	_ =	sdelay $0x3  }
0x92: {  	_ =	strace s18  }
0x93: {  	s3 =	sld [smem:$0x3FFC];
	_ =	sdelay $0x3  }
0x94: {  	_ =	strace s3  }
0x95: {  	s3 =	sld [smem:$0x3FFD];
	_ =	sdelay $0x3  }
0x96: {  	_ =	strace s3  }
0x97: {  	_ =	strace $0x8FFFFFFF  }
0x98: {  	s19 =	sld [smem:$0x3FDB];
	_ =	sdelay $0x1  }
0x99: {  	s4 =	simm.s32 $_scs_section_size  }
0x9a: {  	s5 =	simm.s32 $_size__tile_overlayer_lowered;
	s6 =	simm.s32 $_tile_overlayer_lowered  }
0x9b: {  	s22 =	simm.s32 $0x1BFF;
	s21 =	sshll.u32 s6, $0x1;
	s3 =	sadd.s32 s4, s19  }
0x9c: {  	s7 =	simm.s32 $0x0;
	s20 =	sshll.u32 s5, $0x1;
	s5 =	sadd.s32 s21, s3  }
0x9d: {  	[timem:s7], [sflag:s22] =	dma.local [hbm:s5], s20  }
0x9e: {  	_ =	swait.ge [sflag:s22], s20  }
0x9f: {  	s4 =	ssub.s32 $0x0, s20;
	[sflag:s22] =	ssyncset.done $0x0  }
0xa0: {  	[sflag:s22] =	ssyncadd.s32 s4;
	_ =	sdelay $0x1  }
0xa1: {  	s23 =	simm.s32 $0x1B8B  }
0xa2: {  	_ =	swait.ge [sflag:s23], $0x1  }
0xa3: {  	[sflag:s23] =	ssyncset.done $0x0  }
0xa4: {  	s25 =	simm.s32 $0x1B8E;
	s24 =	sld [smem:$0x3FFE];
	[sflag:s23] =	ssyncadd.s32 $0xFFFFFFFF  }
0xa5: {  	s26 =	simm.s32 $execute0_lowered;
	[smem:$0x3FD2] =	sst s25  }
0xa6: {  	s5 =	sshll.u32 s26, $0x1;
	_ =	strace $0x80000046;
	[dreg:$0x1] =	wrdreg $0xFFFFFFFF  }
0xa7: {  	s28 =	simm.s32 $_size_execute0_lowered;
	s3 =	sadd.s32 s3, s5;
	[dreg:$0x0] =	wrdreg $0x0  }
0xa8: {  	s5 =	sshll.u32 s28, $0x1;
	[dreg:$0x2] =	wrdreg s3  }
0xa9: {  	[dreg:$0x3] =	wrdreg s5  }
0xaa: {  	[dreg:$0x4] =	wrdreg $0xC0  }
0xab: {  	_ =	task [dreg:s7], $0x5FFFF  }
0xac: {  	[dreg:$0x1] =	wrdreg $0xFFFFFFFF  }
0xad: {  	[dreg:$0x0] =	wrdreg $0x60  }
0xae: {  	[dreg:$0x2] =	wrdreg s2  }
0xaf: {  	[dreg:$0x3] =	wrdreg s24  }
0xb0: {  	[dreg:$0x4] =	wrdreg $0xA4000  }
0xb1: {  	[dreg:$0x5] =	wrdreg $0x9  }
0xb2: {  	_ =	task.clear_ibuf [dreg:s7], $0x6FFFF;
	_ =	strace $0x90000046  }
0xb3: {  	s29 =	simm.s32 $0x9;
	_ =	strace $0x80000048  }
0xb4: {  	_ =	swait.ge [sflag:s29], $0x1  }
0xb5: {  	[sflag:s29] =	ssyncadd.s32 $0xFFFFFFFF  }
0xb6: {  	_ =	strace $0x90000048  }
0xb7: {  	_ =	sfence  }
0xb8: {  	s30 =	sld [smem:$0x0];
	_ =	sdelay $0x2  }
0xb9: {  	s31 =	sshll.u32 s1, $0xD;
	s1 =	sshrl.u32 s1, $0x2  }
0xba: {  	s3 =	sand.u32 $0x4000, s31;
	s1 =	sadd.s32 s1, s30  }
0xbb: {  	s0 =	sor.u32 s3, s0;
	s1 =	sshll.u32 s1, $0x11  }
0xbc: {  	s0 =	sor.u32 s1, s0  }
0xbd: {  	s0 =	sadd.s32 $0x8F2B, s0  }
0xbe: {  	[sflag:s0] =	ssyncadd.remote.s32 $0x1  }
0xbf: {  	_ =	sfence.sel $0xFFFF  }
0xc0: {  	[dreg:$0x0] =	wrdreg $0xFFFFFFFF;
	(pc) =	sbr.abs _section_cstart, $3  }
0xc1: {  	[dreg:$0x1] =	wrdreg $0xFFFFFFFF  }
0xc2: {  	_ =	task.clear_ibuf [dreg:s7], $0x2FFFF;
	_ =	strace $0x9FFFFFFF  }
0xc3: {  	(tm) =	ssettm $0x7FFFFFFF  }
tec
execute0_lowered:
.L_overlay_start_1:
0x0: {  	(tag) =	ssettag $0x1  }
0x1: {  	s0 =	srdreg.scid;
	s1 =	rddreg [dreg:$0x0]  }
0x2: {  	s18 =	stileid.u32;
	s3 =	rddreg [dreg:$0x2]  }
0x3: {  	s28 =	simm.s32 $0x6;
	s31 =	simm.s32 $0x2C00;
	s2 =	sand.u32 $0x1, s0  }
0x4: {  	s0 =	rddreg [dreg:$0x1];
	s8 =	smul.u32 $0x14000, s18;
	s4 =	sshll.u32 s2, $0x4  }
0x5: {  	s7 =	smul.u32 $0x140000, s2;
	s2 =	ssub.s32 $0x2, s2;
	s9 =	sadd.s32 $0x4F7C00, s0  }
0x6: {  	s10 =	sadd.s32 $0x2000, s0;
	s29 =	sadd.s32 $0x4F8600, s0;
	s6 =	sor.u32 s18, s4  }
0x7: {  	s4 =	simm.s32 $0x0;
	s11 =	sshrl.u32 s2, $0x1;
	s13 =	sadd.s32 $0xC800, s8  }
0x8: {  	s15 =	sadd.s32 $0xF000, s8;
	s5 =	smul.u32 $0x2710, s6;
	[smem:$0x7FF] =	sst s4  }
0x9: {  	s6 =	smul.u32 $0x27100, s6;
	s12 =	sadd.s32 s7, s8;
	s2 =	ssub.s32 s2, s11  }
0xa: {  	s11 =	sadd.s32 $0x7800, s8;
	s25 =	sadd.s32 s7, s13;
	s26 =	sadd.s32 s7, s15  }
0xb: {  	_ =	strace $0x80000047;
	s12 =	sshrl.u32 s12, $0x3;
	s16 =	sadd.s32 s7, s11  }
0xc: {  	s20 =	sadd.s32 $0x50, s5;
	s6 =	sadd.s32 s9, s6;
	s21 =	sadd.s32 s10, s12  }
0xd: {  	s12 =	sadd.s32 $0xA000, s8;
	s16 =	sshrl.u32 s16, $0x3;
	[dreg:$0x5] =	wrdreg s6  }
0xe: {  	s17 =	sshll.u32 s20, $0x4;
	[dreg:$0x7] =	wrdreg s21;
	s6 =	sor.u32 $0x2800, s8  }
0xf: {  	s23 =	sadd.s32 s10, s16;
	s16 =	sshrl.u32 s26, $0x3;
	[dreg:$0x4] =	wrdreg s20  }
0x10: {  	s19 =	sadd.s32 s9, s17;
	s9 =	sadd.s32 $0x5000, s8;
	s14 =	sadd.s32 s7, s6  }
0x11: {  	s8 =	sadd.s32 $0x11800, s8;
	s17 =	sadd.s32 s7, s12;
	[dreg:$0xa] =	wrdreg s23  }
0x12: {  	s30 =	sadd.s32 s10, s16;
	s16 =	sshrl.u32 s20, $0x3;
	s23 =	sshrl.u32 s5, $0x3  }
0x13: {  	[dreg:$0x6] =	wrdreg s19;
	s14 =	sshrl.u32 s14, $0x3;
	s22 =	sadd.s32 s7, s9  }
0x14: {  	s24 =	sshrl.u32 s17, $0x3;
	s7 =	sadd.s32 s7, s8;
	[dreg:$0xd] =	wrdreg s30  }
0x15: {  	s17 =	sadd.s32 $0x4EDE00, s0;
	s19 =	sadd.s32 $0x4E4000, s0;
	s14 =	sadd.s32 s10, s14  }
0x16: {  	s0 =	simm.s32 $0x1;
	s20 =	sadd.s32 s17, s16;
	[dreg:$0x8] =	wrdreg s14  }
0x17: {  	s7 =	sshrl.u32 s7, $0x3;
	s26 =	sadd.s32 s19, s23;
	[dreg:$0x10] =	wrdreg s20  }
0x18: {  	s14 =	sshrl.u32 s22, $0x3;
	s7 =	sadd.s32 s10, s7;
	[dreg:$0x15] =	wrdreg s26  }
0x19: {  	s20 =	sadd.s32 s6, s3;
	s26 =	sadd.s32 s15, s3;
	[dreg:$0xe] =	wrdreg s7  }
0x1a: {  	s15 =	simm.s32 $0x8;
	s14 =	sadd.s32 s10, s14;
	[dreg:$0x1a] =	wrdreg s20  }
0x1b: {  	s7 =	sadd.s32 s19, s16;
	[dreg:$0x1f] =	wrdreg s26;
	s26 =	simm.s32 $0x50  }
0x1c: {  	s20 =	simm.s32 $0xC;
	[dreg:$0x9] =	wrdreg s14;
	s14 =	sadd.s32 s10, s24  }
0x1d: {  	[dreg:$0x11] =	wrdreg s7;
	s24 =	smul.u32 $0x50000, s18;
	s7 =	sadd.s32 $0x1E, s23  }
0x1e: {  	s18 =	smax.u32 s2, $0x1;
	s2 =	simm.s32 $0x3;
	[dreg:$0xb] =	wrdreg s14  }
0x1f: {  	s14 =	sshrl.u32 s25, $0x3;
	s25 =	sadd.s32 s17, s23;
	[dreg:$0x18] =	wrdreg s18  }
0x20: {  	s30 =	sadd.s32 s17, s7;
	s7 =	sadd.s32 s19, s7;
	[dreg:$0x14] =	wrdreg s25  }
0x21: {  	s23 =	sadd.s32 s11, s3;
	s11 =	simm.s32 $0xA;
	[dreg:$0x16] =	wrdreg s30  }
0x22: {  	s18 =	simm.s32 $0x0;
	s14 =	sadd.s32 s10, s14;
	[dreg:$0x17] =	wrdreg s7  }
0x23: {  	s16 =	sshrl.u32 s24, $0x2;
	[dreg:$0x1c] =	wrdreg s23;
	s24 =	sadd.s32 s12, s3  }
0x24: {  	s25 =	sadd.s32 s13, s3;
	s30 =	sadd.s32 s8, s3;
	[dreg:$0xc] =	wrdreg s14  }
0x25: {  	s12 =	simm.s32 $0x400;
	s13 =	simm.s32 $0xD;
	[dreg:$0x1d] =	wrdreg s24  }
0x26: {  	s7 =	simm.s32 $0x9;
	s14 =	sadd.s32 $0xA0, s5;
	[dreg:$0x1e] =	wrdreg s25  }
0x27: {  	s8 =	simm.s32 $0x7;
	[smem:$0x7FD] =	sst s30;
	s10 =	sshrl.u32 s14, $0x3  }
0x28: {  	s25 =	simm.s32 $0x380;
	[dreg:$0xf] =	wrdreg s14;
	s21 =	sadd.s32 s17, s10  }
0x29: {  	s24 =	simm.s32 $0x5;
	s22 =	sadd.s32 s19, s10;
	[dreg:$0x12] =	wrdreg s21  }
0x2a: {  	s14 =	simm.s32 $0x200;
	[dreg:$0x13] =	wrdreg s22;
	s21 =	sadd.s32 s9, s3  }
0x2b: {  	s10 =	simm.s32 $0x2;
	s22 =	sadd.s32 s16, s3;
	[dreg:$0x1b] =	wrdreg s21  }
0x2c: {  	v0 =	vimm.f32 $0.0e+00;
	s9 =	simm.s32 $0x4;
	s16 =	simm.s32 $0xB;
	[dreg:$0x19] =	wrdreg s22  }
.LBB2_1:
0x2d: {  	[smem:$0x7FC] =	sst s18;
	s6 =	simm.s32 $0x0;
	s18 =	simm.s32 $0x200  }
.LBB2_2:
0x2e: {  	p0 =	sne.s32 s18, $0x9E00;
	[tilespmem:s6+$0x470] =	vst v0  }
0x2f: {  	[tilespmem:s6+$0x400] =	vst v0  }
0x30: {  	[tilespmem:s6+$0x410] =	vst v0  }
.Ltmp0:
0x31: {  	[tilespmem:s6+$0x420] =	vst v0;
	(pc) =	sbr.rel @p0 .LBB2_2-.Ltmp0, $4  }
0x32: {  	[tilespmem:s6+$0x430] =	vst v0  }
0x33: {  	[tilespmem:s6+$0x440] =	vst v0  }
0x34: {  	[tilespmem:s6+$0x450] =	vst v0  }
0x35: {  	[tilespmem:s6+$0x460] =	vst v0;
	s6 =	sshra.s32 s18, $0x2;
	s18 =	sadd.s32 $0x200, s18  }
0x36: {  	[tilespmem:s6+$0x470] =	vst v0  }
0x37: {  	[tilespmem:s6+$0x400] =	vst v0  }
0x38: {  	[tilespmem:s6+$0x410] =	vst v0  }
0x39: {  	[tilespmem:s6+$0x420] =	vst v0  }
0x3a: {  	[tilespmem:s6+$0x430] =	vst v0  }
0x3b: {  	[tilespmem:s6+$0x440] =	vst v0  }
0x3c: {  	[tilespmem:s6+$0x450] =	vst v0  }
0x3d: {  	[tilespmem:s6+$0x460] =	vst v0  }
0x3e: {  	[spmem:s22] =	stream.linear.scatter [tilespmem:s12], [sflag:$0xD], $0x2800, $0x38;
	[tilespmem:$0x1E400] =	vst v63  }
0x3f: {  	_ =	swait.ge [sflag:s13], $0x2800  }
0x40: {  	[sflag:s13] =	ssyncset.done $0x0  }
0x41: {  	s22 =	rddreg [dreg:$0x1a];
	[sflag:s13] =	ssyncadd.s32 $0xFFFFD800  }
0x42: {  	[spmem:s22] =	stream.linear.scatter [tilespmem:s12], [sflag:$0xD], $0x2800, $0x38;
	[tilespmem:$0x1E400] =	vst v63  }
0x43: {  	_ =	swait.ge [sflag:s13], $0x2800  }
0x44: {  	[sflag:s13] =	ssyncset.done $0x0  }
0x45: {  	s23 =	rddreg [dreg:$0x1b];
	[sflag:s13] =	ssyncadd.s32 $0xFFFFD800  }
0x46: {  	[spmem:s23] =	stream.linear.scatter [tilespmem:s12], [sflag:$0xD], $0x2800, $0x38;
	[tilespmem:$0x1E400] =	vst v63  }
0x47: {  	_ =	swait.ge [sflag:s13], $0x2800  }
0x48: {  	[sflag:s13] =	ssyncset.done $0x0  }
0x49: {  	s30 =	rddreg [dreg:$0x1c];
	[sflag:s13] =	ssyncadd.s32 $0xFFFFD800  }
0x4a: {  	[spmem:s30] =	stream.linear.scatter [tilespmem:s12], [sflag:$0xD], $0x2800, $0x38;
	[tilespmem:$0x1E400] =	vst v63  }
0x4b: {  	_ =	swait.ge [sflag:s13], $0x2800  }
0x4c: {  	[sflag:s13] =	ssyncset.done $0x0  }
0x4d: {  	s18 =	rddreg [dreg:$0x1d];
	[sflag:s13] =	ssyncadd.s32 $0xFFFFD800  }
0x4e: {  	[spmem:s18] =	stream.linear.scatter [tilespmem:s12], [sflag:$0xD], $0x2800, $0x38;
	[tilespmem:$0x1E400] =	vst v63  }
0x4f: {  	_ =	swait.ge [sflag:s13], $0x2800  }
0x50: {  	[sflag:s13] =	ssyncset.done $0x0  }
0x51: {  	s21 =	rddreg [dreg:$0x1e];
	[sflag:s13] =	ssyncadd.s32 $0xFFFFD800  }
0x52: {  	[spmem:s21] =	stream.linear.scatter [tilespmem:s12], [sflag:$0xD], $0x2800, $0x38;
	[tilespmem:$0x1E400] =	vst v63  }
0x53: {  	_ =	swait.ge [sflag:s13], $0x2800  }
0x54: {  	[sflag:s13] =	ssyncset.done $0x0  }
0x55: {  	s22 =	rddreg [dreg:$0x1f];
	[sflag:s13] =	ssyncadd.s32 $0xFFFFD800  }
0x56: {  	[spmem:s22] =	stream.linear.scatter [tilespmem:s12], [sflag:$0xD], $0x2800, $0x38;
	[tilespmem:$0x1E400] =	vst v63  }
0x57: {  	_ =	swait.ge [sflag:s13], $0x2800  }
0x58: {  	s23 =	sld [smem:$0x7FD]  }
0x59: {  	[sflag:s13] =	ssyncset.done $0x0  }
0x5a: {  	[sflag:s13] =	ssyncadd.s32 $0xFFFFD800  }
0x5b: {  	[spmem:s23] =	stream.linear.scatter [tilespmem:s12], [sflag:$0xD], $0x2800, $0x38;
	[tilespmem:$0x1E400] =	vst v63  }
0x5c: {  	_ =	swait.ge [sflag:s13], $0x2800  }
0x5d: {  	[sflag:s13] =	ssyncset.done $0x0  }
0x5e: {  	[sflag:s13] =	ssyncadd.s32 $0xFFFFD800  }
0x5f: {  	[bflag:$0x0] =	sbarrier.arrive $0xFFFF  }
0x60: {  	s21 =	simm.s32 $0x0;
	s30 =	rddreg [dreg:$0x14]  }
0x61: {  	[tilespmem:s21], [sflag:$0x5] =	stream.linear.gather [hbm4b:s30+s21], $0x50, $0x38;
	[tilespmem:$0x1E400] =	vst v63  }
0x62: {  	s18 =	rddreg [dreg:$0x15]  }
0x63: {  	[tilespmem:s14], [sflag:$0x9] =	stream.linear.gather [hbm4b:s18+s21], $0x50, $0x38;
	[tilespmem:$0x1E400] =	vst v63  }
0x64: {  	s22 =	rddreg [dreg:$0x10];
	s18 =	simm.s32 $0x80  }
0x65: {  	[tilespmem:s18], [sflag:$0x6] =	stream.linear.gather [hbm4b:s22+s21], $0x50, $0x38;
	[tilespmem:$0x1E400] =	vst v63  }
0x66: {  	s23 =	rddreg [dreg:$0x11];
	s30 =	simm.s32 $0x280  }
0x67: {  	[tilespmem:s30], [sflag:$0xA] =	stream.linear.gather [hbm4b:s23+s21], $0x50, $0x38;
	[tilespmem:$0x1E400] =	vst v63  }
0x68: {  	s23 =	rddreg [dreg:$0x12];
	s30 =	simm.s32 $0x100  }
0x69: {  	[tilespmem:s30], [sflag:$0x7] =	stream.linear.gather [hbm4b:s23+s21], $0x50, $0x38;
	[tilespmem:$0x1E400] =	vst v63  }
0x6a: {  	s23 =	rddreg [dreg:$0x13];
	s30 =	simm.s32 $0x300  }
0x6b: {  	[tilespmem:s30], [sflag:$0xB] =	stream.linear.gather [hbm4b:s23+s21], $0x50, $0x38;
	[tilespmem:$0x1E400] =	vst v63  }
0x6c: {  	s22 =	rddreg [dreg:$0x16];
	s23 =	simm.s32 $0x180  }
0x6d: {  	[tilespmem:s23], [sflag:$0x8] =	stream.linear.gather [hbm4b:s22+s21], $0x50, $0x38;
	[tilespmem:$0x1E400] =	vst v63  }
0x6e: {  	s30 =	rddreg [dreg:$0x17]  }
0x6f: {  	[tilespmem:s25], [sflag:$0xC] =	stream.linear.gather [hbm4b:s30+s21], $0x50, $0x38;
	[tilespmem:$0x1E400] =	vst v63  }
0x70: {  	_ =	swait.ge [sflag:s24], $0x50  }
0x71: {  	[sflag:s24] =	ssyncset.done $0x0  }
0x72: {  	s23 =	simm.s32 $0x5400;
	s22 =	rddreg [dreg:$0x5];
	[sflag:s24] =	ssyncadd.s32 $0xFFFFFFB0  }
0x73: {  	[tilespmem:s23], [sflag:$0x3] =	stream.linear.gather [hbm4b:s22+s21], $0x2800, $0x38;
	[tilespmem:$0x1E400] =	vst v63  }
0x74: {  	_ = 	snop  }
0x75: {  	[tilespmem:s12], [sflag:$0x1] =	stream.indirect.gather [hbm4b:s1+s26], $0x80, s21, s26, $0xb8;
	[tilespmem:$0x1E400] =	vst v63  }
0x76: {  	_ =	swait.ge [sflag:s28], $0x50  }
0x77: {  	[sflag:s28] =	ssyncset.done $0x0  }
0x78: {  	s30 =	simm.s32 $0x7C00;
	s25 =	rddreg [dreg:$0x6];
	[sflag:s28] =	ssyncadd.s32 $0xFFFFFFB0  }
0x79: {  	[tilespmem:s30], [sflag:$0x4] =	stream.linear.gather [hbm4b:s25+s21], $0x2800, $0x38;
	[tilespmem:$0x1E400] =	vst v63  }
0x7a: {  	_ = 	snop  }
0x7b: {  	[tilespmem:s31], [sflag:$0x2] =	stream.indirect.gather [hbm4b:s1+s26], $0x80, s18, s26, $0xb8;
	[tilespmem:$0x1E400] =	vst v63  }
.LBB2_4:
0x7c: {  	_ =	swait.ge [sflag:s2], $0x2800  }
0x7d: {  	[sflag:s2] =	ssyncset.done $0x0  }
0x7e: {  	[sflag:s2] =	ssyncadd.s32 $0xFFFFD800  }
0x7f: {  	_ =	swait.ge [sflag:s0], $0x2800  }
0x80: {  	[sflag:s0] =	ssyncset.done $0x0  }
0x81: {  	s6 =	simm.s32 $0x0;
	[sflag:s0] =	ssyncadd.s32 $0xFFFFD800  }
0x82: {  	v1 =	vld [tilespmem:s6+$0x470]  }
0x83: {  	v2 =	vld [tilespmem:s6+$0x5470]  }
0x84: {  	v3 =	vld [tilespmem:s6+$0x400]  }
0x85: {  	v4 =	vld [tilespmem:s6+$0x5400]  }
0x86: {  	v5 =	vld [tilespmem:s6+$0x410]  }
0x87: {  	v6 =	vld [tilespmem:s6+$0x5410]  }
0x88: {  	v7 =	vld [tilespmem:s6+$0x420]  }
0x89: {  	v8 =	vld [tilespmem:s6+$0x430]  }
0x8a: {  	v1 =	vmul.f32 v2, v1;
	v2 =	vld [tilespmem:s6+$0x5420]  }
0x8b: {  	v3 =	vmul.f32 v4, v3;
	v4 =	vld [tilespmem:s6+$0x5430]  }
0x8c: {  	v9 =	vld [tilespmem:s6+$0x5440]  }
0x8d: {  	[tilespmem:s6+$0x470] =	vst v1;
	v1 =	vmul.f32 v6, v5;
	v5 =	vld [tilespmem:s6+$0x440]  }
0x8e: {  	[tilespmem:s6+$0x400] =	vst v3;
	v3 =	vld [tilespmem:s6+$0x5450]  }
0x8f: {  	[tilespmem:s6+$0x410] =	vst v1;
	v1 =	vld [tilespmem:s6+$0x450];
	v2 =	vmul.f32 v2, v7  }
0x90: {  	v7 =	vmul.f32 v4, v8;
	v4 =	vld [tilespmem:s6+$0x5460]  }
0x91: {  	s18 =	simm.s32 $0x80;
	[tilespmem:s6+$0x420] =	vst v2;
	v2 =	vld [tilespmem:s6+$0x460]  }
0x92: {  	s22 =	simm.s32 $0x400;
	v6 =	vld [tilespmem:s18+$0x470];
	[tilespmem:s6+$0x430] =	vst v7;
	v5 =	vmul.f32 v9, v5  }
.LBB2_5:
0x93: {  	p0 =	sne.s32 s22, $0x9E00;
	v7 =	vld [tilespmem:s18+$0x5470]  }
0x94: {  	v8 =	vld [tilespmem:s18+$0x400];
	[tilespmem:s6+$0x440] =	vst v5;
	v1 =	vmul.f32 v3, v1  }
0x95: {  	v3 =	vld [tilespmem:s18+$0x5400]  }
0x96: {  	v5 =	vld [tilespmem:s18+$0x410];
	[tilespmem:s6+$0x450] =	vst v1;
	v1 =	vmul.f32 v4, v2  }
0x97: {  	v2 =	vld [tilespmem:s18+$0x5410]  }
0x98: {  	v4 =	vld [tilespmem:s18+$0x420];
	v6 =	vmul.f32 v7, v6;
	[tilespmem:s6+$0x460] =	vst v1;
	s6 =	smov.u32 s18  }
0x99: {  	v1 =	vld [tilespmem:s6+$0x5420]  }
0x9a: {  	v3 =	vmul.f32 v3, v8;
	v7 =	vld [tilespmem:s6+$0x430];
	[tilespmem:s6+$0x470] =	vst v6  }
0x9b: {  	v6 =	vld [tilespmem:s6+$0x5430]  }
0x9c: {  	[tilespmem:s6+$0x400] =	vst v3;
	v2 =	vmul.f32 v2, v5;
	v5 =	vld [tilespmem:s6+$0x440]  }
0x9d: {  	v8 =	vld [tilespmem:s6+$0x5440]  }
.Ltmp1:
0x9e: {  	[tilespmem:s6+$0x410] =	vst v2;
	v2 =	vmul.f32 v1, v4;
	v1 =	vld [tilespmem:s6+$0x450];
	(pc) =	sbr.rel @p0 .LBB2_5-.Ltmp1, $4  }
0x9f: {  	v3 =	vld [tilespmem:s6+$0x5450]  }
0xa0: {  	[tilespmem:s6+$0x420] =	vst v2;
	v7 =	vmul.f32 v6, v7;
	v2 =	vld [tilespmem:s6+$0x460]  }
0xa1: {  	s18 =	sshra.s32 s22, $0x2;
	v4 =	vld [tilespmem:s6+$0x5460]  }
0xa2: {  	s22 =	sadd.s32 $0x200, s22;
	v6 =	vld [tilespmem:s18+$0x470];
	[tilespmem:s6+$0x430] =	vst v7;
	v5 =	vmul.f32 v8, v5  }
0xa3: {  	v7 =	vld [tilespmem:s18+$0x5470]  }
0xa4: {  	v8 =	vld [tilespmem:s18+$0x400]  }
0xa5: {  	v9 =	vld [tilespmem:s18+$0x5400]  }
0xa6: {  	v10 =	vld [tilespmem:s18+$0x410]  }
0xa7: {  	v11 =	vld [tilespmem:s18+$0x5410]  }
0xa8: {  	v12 =	vld [tilespmem:s18+$0x420]  }
0xa9: {  	v13 =	vld [tilespmem:s18+$0x430]  }
0xaa: {  	v6 =	vmul.f32 v7, v6;
	v7 =	vld [tilespmem:s18+$0x5420]  }
0xab: {  	v60 =	vld [tilespmem:s18+$0x440]  }
0xac: {  	v61 =	vld [tilespmem:s18+$0x5440];
	v8 =	vmul.f32 v9, v8  }
0xad: {  	v62 =	vld [tilespmem:s18+$0x5450];
	[tilespmem:s18+$0x470] =	vst v6  }
0xae: {  	v6 =	vld [tilespmem:s18+$0x5430];
	[tilespmem:s18+$0x400] =	vst v8;
	v8 =	vmul.f32 v11, v10  }
0xaf: {  	v1 =	vmul.f32 v3, v1;
	v3 =	vld [tilespmem:s18+$0x5460];
	v7 =	vmul.f32 v7, v12  }
0xb0: {  	[tilespmem:s18+$0x410] =	vst v8;
	v8 =	vld [tilespmem:s18+$0x450]  }
0xb1: {  	[tilespmem:s18+$0x420] =	vst v7;
	v7 =	vld [tilespmem:s18+$0x460]  }
0xb2: {  	[tilespmem:s6+$0x440] =	vst v5;
	v2 =	vmul.f32 v4, v2  }
0xb3: {  	[tilespmem:s6+$0x450] =	vst v1;
	v1 =	vmul.f32 v6, v13  }
0xb4: {  	[tilespmem:s6+$0x460] =	vst v2;
	v2 =	vmul.f32 v61, v60  }
0xb5: {  	[tilespmem:s18+$0x430] =	vst v1;
	v1 =	vmul.f32 v62, v8  }
0xb6: {  	[tilespmem:s18+$0x440] =	vst v2;
	v2 =	vmul.f32 v3, v7  }
0xb7: {  	[tilespmem:s18+$0x450] =	vst v1  }
0xb8: {  	[tilespmem:s18+$0x460] =	vst v2  }
0xb9: {  	s6 =	smul.u32 $0x140, s21;
	_ =	swait.ge [sflag:s7], $0x50  }
0xba: {  	[sflag:s7] =	ssyncset.done $0x0  }
0xbb: {  	s25 =	sadd.s32 s5, s6;
	[sflag:s7] =	ssyncadd.s32 $0xFFFFFFB0  }
0xbc: {  	[spmem:s3] =	stream.indirect.scatter.add.f32 [tilespmem:s12], [sflag:$0xD], $0x80, s14, s26, $0xb8;
	[tilespmem:$0x1E400] =	vst v63  }
0xbd: {  	s22 =	sshrl.u32 s25, $0x3;
	_ =	swait.ge [sflag:s13], $0x2800  }
0xbe: {  	s22 =	sadd.s32 $0x28, s22;
	[sflag:s13] =	ssyncset.done $0x0  }
0xbf: {  	s30 =	simm.s32 $0x0;
	s23 =	sadd.s32 s17, s22;
	[sflag:s13] =	ssyncadd.s32 $0xFFFFD800  }
0xc0: {  	[tilespmem:s30], [sflag:$0x5] =	stream.linear.gather [hbm4b:s23+s30], $0x50, $0x38;
	[tilespmem:$0x1E400] =	vst v63  }
0xc1: {  	s22 =	sadd.s32 s19, s22  }
0xc2: {  	[tilespmem:s14], [sflag:$0x9] =	stream.linear.gather [hbm4b:s22+s30], $0x50, $0x38;
	[tilespmem:$0x1E400] =	vst v63  }
0xc3: {  	_ =	swait.ge [sflag:s8], $0x50  }
0xc4: {  	s18 =	sshll.u32 s25, $0x4;
	[sflag:s8] =	ssyncset.done $0x0  }
0xc5: {  	s25 =	simm.s32 $0x5400;
	s18 =	sadd.s32 s18, s29;
	[sflag:s8] =	ssyncadd.s32 $0xFFFFFFB0  }
0xc6: {  	[tilespmem:s25], [sflag:$0x3] =	stream.linear.gather [hbm4b:s18+s30], $0x2800, $0x38;
	[tilespmem:$0x1E400] =	vst v63  }
0xc7: {  	s30 =	simm.s32 $0x100  }
0xc8: {  	[tilespmem:s12], [sflag:$0x1] =	stream.indirect.gather [hbm4b:s1+s26], $0x80, s30, s26, $0xb8;
	[tilespmem:$0x1E400] =	vst v63  }
0xc9: {  	_ =	swait.ge [sflag:s9], $0x2800  }
0xca: {  	[sflag:s9] =	ssyncset.done $0x0  }
0xcb: {  	[sflag:s9] =	ssyncadd.s32 $0xFFFFD800  }
0xcc: {  	_ =	swait.ge [sflag:s10], $0x2800  }
0xcd: {  	[sflag:s10] =	ssyncset.done $0x0  }
0xce: {  	s18 =	simm.s32 $0x0;
	[sflag:s10] =	ssyncadd.s32 $0xFFFFD800  }
0xcf: {  	v1 =	vld [tilespmem:s18+$0x2C70]  }
0xd0: {  	v2 =	vld [tilespmem:s18+$0x7C70]  }
0xd1: {  	v3 =	vld [tilespmem:s18+$0x2C00]  }
0xd2: {  	v4 =	vld [tilespmem:s18+$0x7C00]  }
0xd3: {  	v5 =	vld [tilespmem:s18+$0x2C10]  }
0xd4: {  	v6 =	vld [tilespmem:s18+$0x7C10]  }
0xd5: {  	v7 =	vld [tilespmem:s18+$0x2C20]  }
0xd6: {  	v8 =	vld [tilespmem:s18+$0x2C30]  }
0xd7: {  	v1 =	vmul.f32 v2, v1;
	v2 =	vld [tilespmem:s18+$0x7C20]  }
0xd8: {  	v3 =	vmul.f32 v4, v3;
	v4 =	vld [tilespmem:s18+$0x7C30]  }
0xd9: {  	v63 =	vld [tilespmem:s18+$0x7C40]  }
0xda: {  	[tilespmem:s18+$0x2C70] =	vst v1;
	v1 =	vmul.f32 v6, v5;
	v5 =	vld [tilespmem:s18+$0x2C40]  }
0xdb: {  	[tilespmem:s18+$0x2C00] =	vst v3;
	v3 =	vld [tilespmem:s18+$0x7C50]  }
0xdc: {  	[tilespmem:s18+$0x2C10] =	vst v1;
	v1 =	vld [tilespmem:s18+$0x2C50];
	v2 =	vmul.f32 v2, v7  }
0xdd: {  	v7 =	vmul.f32 v4, v8;
	v4 =	vld [tilespmem:s18+$0x7C60]  }
0xde: {  	s22 =	simm.s32 $0x80;
	[tilespmem:s18+$0x2C20] =	vst v2;
	v2 =	vld [tilespmem:s18+$0x2C60]  }
0xdf: {  	s23 =	simm.s32 $0x400;
	v6 =	vld [tilespmem:s22+$0x2C70];
	[tilespmem:s18+$0x2C30] =	vst v7;
	v5 =	vmul.f32 v63, v5  }
.LBB2_7:
0xe0: {  	p0 =	sne.s32 s23, $0x9E00;
	v7 =	vld [tilespmem:s22+$0x7C70]  }
0xe1: {  	v8 =	vld [tilespmem:s22+$0x2C00];
	[tilespmem:s18+$0x2C40] =	vst v5;
	v1 =	vmul.f32 v3, v1  }
0xe2: {  	v3 =	vld [tilespmem:s22+$0x7C00]  }
0xe3: {  	v5 =	vld [tilespmem:s22+$0x2C10];
	[tilespmem:s18+$0x2C50] =	vst v1;
	v1 =	vmul.f32 v4, v2  }
0xe4: {  	v2 =	vld [tilespmem:s22+$0x7C10]  }
0xe5: {  	v4 =	vld [tilespmem:s22+$0x2C20];
	v6 =	vmul.f32 v7, v6;
	[tilespmem:s18+$0x2C60] =	vst v1;
	s18 =	smov.u32 s22  }
0xe6: {  	v1 =	vld [tilespmem:s18+$0x7C20]  }
0xe7: {  	v3 =	vmul.f32 v3, v8;
	v7 =	vld [tilespmem:s18+$0x2C30];
	[tilespmem:s18+$0x2C70] =	vst v6  }
0xe8: {  	v6 =	vld [tilespmem:s18+$0x7C30]  }
0xe9: {  	[tilespmem:s18+$0x2C00] =	vst v3;
	v2 =	vmul.f32 v2, v5;
	v5 =	vld [tilespmem:s18+$0x2C40]  }
0xea: {  	v8 =	vld [tilespmem:s18+$0x7C40]  }
.Ltmp2:
0xeb: {  	[tilespmem:s18+$0x2C10] =	vst v2;
	v2 =	vmul.f32 v1, v4;
	v1 =	vld [tilespmem:s18+$0x2C50];
	(pc) =	sbr.rel @p0 .LBB2_7-.Ltmp2, $4  }
0xec: {  	v3 =	vld [tilespmem:s18+$0x7C50]  }
0xed: {  	[tilespmem:s18+$0x2C20] =	vst v2;
	v7 =	vmul.f32 v6, v7;
	v2 =	vld [tilespmem:s18+$0x2C60]  }
0xee: {  	s22 =	sshra.s32 s23, $0x2;
	v4 =	vld [tilespmem:s18+$0x7C60]  }
0xef: {  	s23 =	sadd.s32 $0x200, s23;
	v6 =	vld [tilespmem:s22+$0x2C70];
	[tilespmem:s18+$0x2C30] =	vst v7;
	v5 =	vmul.f32 v8, v5  }
0xf0: {  	v7 =	vld [tilespmem:s22+$0x7C70]  }
0xf1: {  	v8 =	vld [tilespmem:s22+$0x2C00]  }
0xf2: {  	v9 =	vld [tilespmem:s22+$0x7C00]  }
0xf3: {  	v10 =	vld [tilespmem:s22+$0x2C10]  }
0xf4: {  	v11 =	vld [tilespmem:s22+$0x7C10]  }
0xf5: {  	v12 =	vld [tilespmem:s22+$0x2C20]  }
0xf6: {  	v13 =	vld [tilespmem:s22+$0x2C30]  }
0xf7: {  	v6 =	vmul.f32 v7, v6;
	v7 =	vld [tilespmem:s22+$0x7C20]  }
0xf8: {  	v60 =	vld [tilespmem:s22+$0x2C40]  }
0xf9: {  	v61 =	vld [tilespmem:s22+$0x7C40];
	v8 =	vmul.f32 v9, v8  }
0xfa: {  	v62 =	vld [tilespmem:s22+$0x7C50];
	[tilespmem:s22+$0x2C70] =	vst v6  }
0xfb: {  	v6 =	vld [tilespmem:s22+$0x7C30];
	[tilespmem:s22+$0x2C00] =	vst v8;
	v8 =	vmul.f32 v11, v10  }
0xfc: {  	v1 =	vmul.f32 v3, v1;
	v3 =	vld [tilespmem:s22+$0x7C60];
	v7 =	vmul.f32 v7, v12  }
0xfd: {  	[tilespmem:s22+$0x2C10] =	vst v8;
	v8 =	vld [tilespmem:s22+$0x2C50]  }
0xfe: {  	[tilespmem:s22+$0x2C20] =	vst v7;
	v7 =	vld [tilespmem:s22+$0x2C60]  }
0xff: {  	[tilespmem:s18+$0x2C40] =	vst v5;
	v2 =	vmul.f32 v4, v2  }
0x100: {  	[tilespmem:s18+$0x2C50] =	vst v1;
	v1 =	vmul.f32 v6, v13  }
0x101: {  	[tilespmem:s18+$0x2C60] =	vst v2;
	v2 =	vmul.f32 v61, v60  }
0x102: {  	[tilespmem:s22+$0x2C30] =	vst v1;
	v1 =	vmul.f32 v62, v8  }
0x103: {  	[tilespmem:s22+$0x2C40] =	vst v2;
	v2 =	vmul.f32 v3, v7  }
0x104: {  	[tilespmem:s22+$0x2C50] =	vst v1  }
0x105: {  	[tilespmem:s22+$0x2C60] =	vst v2  }
0x106: {  	_ =	swait.ge [sflag:s11], $0x50  }
0x107: {  	s25 =	simm.s32 $0x280;
	[sflag:s11] =	ssyncset.done $0x0;
	s22 =	rddreg [dreg:$0x4]  }
0x108: {  	p0 =	seq.s32 s21, $0x1E;
	[sflag:s11] =	ssyncadd.s32 $0xFFFFFFB0;
	s18 =	sadd.s32 s6, s22  }
0x109: {  	[spmem:s3] =	stream.indirect.scatter.add.f32 [tilespmem:s31], [sflag:$0xD], $0x80, s25, s26, $0xb8;
	[tilespmem:$0x1E400] =	vst v63  }
0x10a: {  	s22 =	sshrl.u32 @!p0 s18, $0x3;
	_ =	swait.ge [sflag:s13], $0x2800  }
0x10b: {  	s30 =	simm.s32 @!p0 $0x0;
	s22 =	sadd.s32 @!p0 $0x28, s22;
	[sflag:s13] =	ssyncset.done $0x0  }
0x10c: {  	s25 =	simm.s32 @!p0 $0x80;
	s23 =	sadd.s32 @!p0 s17, s22;
	[sflag:s13] =	ssyncadd.s32 $0xFFFFD800  }
0x10d: {  	[tilespmem:s25], [sflag:$0x6] =	stream.linear.gather @!p0 [hbm4b:s23+s30], $0x50, $0x38;
	[tilespmem:$0x1E400] =	vst v63  }
0x10e: {  	s22 =	sadd.s32 @!p0 s19, s22;
	s23 =	simm.s32 @!p0 $0x280  }
0x10f: {  	[tilespmem:s23], [sflag:$0xA] =	stream.linear.gather @!p0 [hbm4b:s22+s30], $0x50, $0x38;
	[tilespmem:$0x1E400] =	vst v63  }
0x110: {  	s18 =	sshll.u32 s18, $0x4;
	_ =	swait.ge [sflag:s15], $0x50  }
0x111: {  	s18 =	sadd.s32 s18, s29;
	[sflag:s15] =	ssyncset.done $0x0  }
0x112: {  	s25 =	simm.s32 $0x7C00;
	s23 =	simm.s32 $0x0;
	[sflag:s15] =	ssyncadd.s32 $0xFFFFFFB0  }
0x113: {  	[tilespmem:s25], [sflag:$0x4] =	stream.linear.gather [hbm4b:s18+s23], $0x2800, $0x38;
	[tilespmem:$0x1E400] =	vst v63  }
0x114: {  	s25 =	simm.s32 $0x180  }
0x115: {  	[tilespmem:s31], [sflag:$0x2] =	stream.indirect.gather [hbm4b:s1+s26], $0x80, s25, s26, $0xb8;
	[tilespmem:$0x1E400] =	vst v63  }
0x116: {  	_ =	swait.ge [sflag:s2], $0x2800  }
0x117: {  	[sflag:s2] =	ssyncset.done $0x0  }
0x118: {  	[sflag:s2] =	ssyncadd.s32 $0xFFFFD800  }
0x119: {  	_ =	swait.ge [sflag:s0], $0x2800  }
0x11a: {  	[sflag:s0] =	ssyncset.done $0x0  }
0x11b: {  	s22 =	simm.s32 $0x0;
	[sflag:s0] =	ssyncadd.s32 $0xFFFFD800  }
0x11c: {  	v1 =	vld [tilespmem:s22+$0x470]  }
0x11d: {  	v2 =	vld [tilespmem:s22+$0x5470]  }
0x11e: {  	v3 =	vld [tilespmem:s22+$0x400]  }
0x11f: {  	v4 =	vld [tilespmem:s22+$0x5400]  }
0x120: {  	v5 =	vld [tilespmem:s22+$0x410]  }
0x121: {  	v6 =	vld [tilespmem:s22+$0x5410]  }
0x122: {  	v7 =	vld [tilespmem:s22+$0x420]  }
0x123: {  	v8 =	vld [tilespmem:s22+$0x430]  }
0x124: {  	v1 =	vmul.f32 v2, v1;
	v2 =	vld [tilespmem:s22+$0x5420]  }
0x125: {  	v3 =	vmul.f32 v4, v3;
	v4 =	vld [tilespmem:s22+$0x5430]  }
0x126: {  	v63 =	vld [tilespmem:s22+$0x5440]  }
0x127: {  	[tilespmem:s22+$0x470] =	vst v1;
	v1 =	vmul.f32 v6, v5;
	v5 =	vld [tilespmem:s22+$0x440]  }
0x128: {  	[tilespmem:s22+$0x400] =	vst v3;
	v3 =	vld [tilespmem:s22+$0x5450]  }
0x129: {  	[tilespmem:s22+$0x410] =	vst v1;
	v1 =	vld [tilespmem:s22+$0x450];
	v2 =	vmul.f32 v2, v7  }
0x12a: {  	v7 =	vmul.f32 v4, v8;
	v4 =	vld [tilespmem:s22+$0x5460]  }
0x12b: {  	s18 =	sadd.s32 @!p0 $0xF0, s6;
	s23 =	simm.s32 $0x80;
	[tilespmem:s22+$0x420] =	vst v2;
	v2 =	vld [tilespmem:s22+$0x460]  }
0x12c: {  	s30 =	simm.s32 $0x400;
	s18 =	simm.s32 @p0 $0x2670;
	v6 =	vld [tilespmem:s23+$0x470];
	[tilespmem:s22+$0x430] =	vst v7;
	v5 =	vmul.f32 v63, v5  }
.LBB2_9:
0x12d: {  	p1 =	sne.s32 s30, $0x9E00;
	v7 =	vld [tilespmem:s23+$0x5470]  }
0x12e: {  	v8 =	vld [tilespmem:s23+$0x400];
	[tilespmem:s22+$0x440] =	vst v5;
	v1 =	vmul.f32 v3, v1  }
0x12f: {  	v3 =	vld [tilespmem:s23+$0x5400]  }
0x130: {  	v5 =	vld [tilespmem:s23+$0x410];
	[tilespmem:s22+$0x450] =	vst v1;
	v1 =	vmul.f32 v4, v2  }
0x131: {  	v2 =	vld [tilespmem:s23+$0x5410]  }
0x132: {  	v4 =	vld [tilespmem:s23+$0x420];
	v6 =	vmul.f32 v7, v6;
	[tilespmem:s22+$0x460] =	vst v1;
	s22 =	smov.u32 s23  }
0x133: {  	v1 =	vld [tilespmem:s22+$0x5420]  }
0x134: {  	v3 =	vmul.f32 v3, v8;
	v7 =	vld [tilespmem:s22+$0x430];
	[tilespmem:s22+$0x470] =	vst v6  }
0x135: {  	v6 =	vld [tilespmem:s22+$0x5430]  }
0x136: {  	[tilespmem:s22+$0x400] =	vst v3;
	v2 =	vmul.f32 v2, v5;
	v5 =	vld [tilespmem:s22+$0x440]  }
0x137: {  	v8 =	vld [tilespmem:s22+$0x5440]  }
.Ltmp3:
0x138: {  	[tilespmem:s22+$0x410] =	vst v2;
	v2 =	vmul.f32 v1, v4;
	v1 =	vld [tilespmem:s22+$0x450];
	(pc) =	sbr.rel @p1 .LBB2_9-.Ltmp3, $4  }
0x139: {  	v3 =	vld [tilespmem:s22+$0x5450]  }
0x13a: {  	[tilespmem:s22+$0x420] =	vst v2;
	v7 =	vmul.f32 v6, v7;
	v2 =	vld [tilespmem:s22+$0x460]  }
0x13b: {  	s23 =	sshra.s32 s30, $0x2;
	v4 =	vld [tilespmem:s22+$0x5460]  }
0x13c: {  	s30 =	sadd.s32 $0x200, s30;
	v6 =	vld [tilespmem:s23+$0x470];
	[tilespmem:s22+$0x430] =	vst v7;
	v5 =	vmul.f32 v8, v5  }
0x13d: {  	v7 =	vld [tilespmem:s23+$0x5470]  }
0x13e: {  	v8 =	vld [tilespmem:s23+$0x400]  }
0x13f: {  	v9 =	vld [tilespmem:s23+$0x5400]  }
0x140: {  	v10 =	vld [tilespmem:s23+$0x410]  }
0x141: {  	v11 =	vld [tilespmem:s23+$0x5410]  }
0x142: {  	v12 =	vld [tilespmem:s23+$0x420]  }
0x143: {  	v13 =	vld [tilespmem:s23+$0x430]  }
0x144: {  	v6 =	vmul.f32 v7, v6;
	v7 =	vld [tilespmem:s23+$0x5420]  }
0x145: {  	v60 =	vld [tilespmem:s23+$0x440]  }
0x146: {  	v61 =	vld [tilespmem:s23+$0x5440];
	v8 =	vmul.f32 v9, v8  }
0x147: {  	v62 =	vld [tilespmem:s23+$0x5450];
	[tilespmem:s23+$0x470] =	vst v6  }
0x148: {  	v6 =	vld [tilespmem:s23+$0x5430];
	[tilespmem:s23+$0x400] =	vst v8;
	v8 =	vmul.f32 v11, v10  }
0x149: {  	v1 =	vmul.f32 v3, v1;
	v3 =	vld [tilespmem:s23+$0x5460];
	v7 =	vmul.f32 v7, v12  }
0x14a: {  	[tilespmem:s23+$0x410] =	vst v8;
	v8 =	vld [tilespmem:s23+$0x450]  }
0x14b: {  	[tilespmem:s23+$0x420] =	vst v7;
	v7 =	vld [tilespmem:s23+$0x460]  }
0x14c: {  	[tilespmem:s22+$0x440] =	vst v5;
	v2 =	vmul.f32 v4, v2  }
0x14d: {  	[tilespmem:s22+$0x450] =	vst v1;
	v1 =	vmul.f32 v6, v13  }
0x14e: {  	[tilespmem:s22+$0x460] =	vst v2;
	v2 =	vmul.f32 v61, v60  }
0x14f: {  	[tilespmem:s23+$0x430] =	vst v1;
	v1 =	vmul.f32 v62, v8  }
0x150: {  	[tilespmem:s23+$0x440] =	vst v2;
	v2 =	vmul.f32 v3, v7  }
0x151: {  	[tilespmem:s23+$0x450] =	vst v1  }
0x152: {  	[tilespmem:s23+$0x460] =	vst v2  }
0x153: {  	_ =	swait.ge [sflag:s16], $0x50  }
0x154: {  	[sflag:s16] =	ssyncset.done $0x0;
	s23 =	rddreg [dreg:$0xf]  }
0x155: {  	s30 =	simm.s32 $0x300;
	[sflag:s16] =	ssyncadd.s32 $0xFFFFFFB0;
	s6 =	sadd.s32 s23, s6  }
0x156: {  	[spmem:s3] =	stream.indirect.scatter.add.f32 [tilespmem:s12], [sflag:$0xD], $0x80, s30, s26, $0xb8;
	[tilespmem:$0x1E400] =	vst v63  }
0x157: {  	s22 =	sshrl.u32 @!p0 s6, $0x3;
	_ =	swait.ge [sflag:s13], $0x2800  }
0x158: {  	s25 =	simm.s32 @!p0 $0x0;
	s22 =	sadd.s32 @!p0 $0x28, s22;
	[sflag:s13] =	ssyncset.done $0x0  }
0x159: {  	s30 =	simm.s32 @!p0 $0x100;
	s23 =	sadd.s32 @!p0 s17, s22;
	[sflag:s13] =	ssyncadd.s32 $0xFFFFD800  }
0x15a: {  	[tilespmem:s30], [sflag:$0x7] =	stream.linear.gather @!p0 [hbm4b:s23+s25], $0x50, $0x38;
	[tilespmem:$0x1E400] =	vst v63  }
0x15b: {  	s22 =	sadd.s32 @!p0 s19, s22;
	s23 =	simm.s32 @!p0 $0x300  }
0x15c: {  	[tilespmem:s23], [sflag:$0xB] =	stream.linear.gather @!p0 [hbm4b:s22+s25], $0x50, $0x38;
	[tilespmem:$0x1E400] =	vst v63  }
0x15d: {  	s6 =	sshll.u32 s6, $0x4;
	_ =	swait.ge [sflag:s24], $0x50  }
0x15e: {  	s6 =	sadd.s32 s6, s29;
	[sflag:s24] =	ssyncset.done $0x0  }
0x15f: {  	s30 =	simm.s32 $0x5400;
	s25 =	simm.s32 $0x0;
	[sflag:s24] =	ssyncadd.s32 $0xFFFFFFB0  }
0x160: {  	[tilespmem:s30], [sflag:$0x3] =	stream.linear.gather [hbm4b:s6+s25], $0x2800, $0x38;
	[tilespmem:$0x1E400] =	vst v63  }
0x161: {  	_ = 	snop  }
0x162: {  	[tilespmem:s12], [sflag:$0x1] =	stream.indirect.gather [hbm4b:s1+s26], $0x80, s25, s26, $0xb8;
	[tilespmem:$0x1E400] =	vst v63  }
0x163: {  	_ =	swait.ge [sflag:s9], $0x2800  }
0x164: {  	[sflag:s9] =	ssyncset.done $0x0  }
0x165: {  	[sflag:s9] =	ssyncadd.s32 $0xFFFFD800  }
0x166: {  	_ =	swait.ge [sflag:s10], $0x2800  }
0x167: {  	[sflag:s10] =	ssyncset.done $0x0  }
0x168: {  	s6 =	simm.s32 $0x0;
	[sflag:s10] =	ssyncadd.s32 $0xFFFFD800  }
0x169: {  	v1 =	vld [tilespmem:s6+$0x2C70]  }
0x16a: {  	v2 =	vld [tilespmem:s6+$0x7C70]  }
0x16b: {  	v3 =	vld [tilespmem:s6+$0x2C00]  }
0x16c: {  	v4 =	vld [tilespmem:s6+$0x7C00]  }
0x16d: {  	v5 =	vld [tilespmem:s6+$0x2C10]  }
0x16e: {  	v6 =	vld [tilespmem:s6+$0x7C10]  }
0x16f: {  	v7 =	vld [tilespmem:s6+$0x2C20]  }
0x170: {  	v8 =	vld [tilespmem:s6+$0x2C30]  }
0x171: {  	v1 =	vmul.f32 v2, v1;
	v2 =	vld [tilespmem:s6+$0x7C20]  }
0x172: {  	v3 =	vmul.f32 v4, v3;
	v4 =	vld [tilespmem:s6+$0x7C30]  }
0x173: {  	v63 =	vld [tilespmem:s6+$0x7C40]  }
0x174: {  	[tilespmem:s6+$0x2C70] =	vst v1;
	v1 =	vmul.f32 v6, v5;
	v5 =	vld [tilespmem:s6+$0x2C40]  }
0x175: {  	[tilespmem:s6+$0x2C00] =	vst v3;
	v3 =	vld [tilespmem:s6+$0x7C50]  }
0x176: {  	[tilespmem:s6+$0x2C10] =	vst v1;
	v1 =	vld [tilespmem:s6+$0x2C50];
	v2 =	vmul.f32 v2, v7  }
0x177: {  	v7 =	vmul.f32 v4, v8;
	v4 =	vld [tilespmem:s6+$0x7C60]  }
0x178: {  	s22 =	simm.s32 $0x80;
	[tilespmem:s6+$0x2C20] =	vst v2;
	v2 =	vld [tilespmem:s6+$0x2C60]  }
0x179: {  	s23 =	simm.s32 $0x400;
	v6 =	vld [tilespmem:s22+$0x2C70];
	[tilespmem:s6+$0x2C30] =	vst v7;
	v5 =	vmul.f32 v63, v5  }
.LBB2_11:
0x17a: {  	p1 =	sne.s32 s23, $0x9E00;
	v7 =	vld [tilespmem:s22+$0x7C70]  }
0x17b: {  	v8 =	vld [tilespmem:s22+$0x2C00];
	[tilespmem:s6+$0x2C40] =	vst v5;
	v1 =	vmul.f32 v3, v1  }
0x17c: {  	v3 =	vld [tilespmem:s22+$0x7C00]  }
0x17d: {  	v5 =	vld [tilespmem:s22+$0x2C10];
	[tilespmem:s6+$0x2C50] =	vst v1;
	v1 =	vmul.f32 v4, v2  }
0x17e: {  	v2 =	vld [tilespmem:s22+$0x7C10]  }
0x17f: {  	v4 =	vld [tilespmem:s22+$0x2C20];
	v6 =	vmul.f32 v7, v6;
	[tilespmem:s6+$0x2C60] =	vst v1;
	s6 =	smov.u32 s22  }
0x180: {  	v1 =	vld [tilespmem:s6+$0x7C20]  }
0x181: {  	v3 =	vmul.f32 v3, v8;
	v7 =	vld [tilespmem:s6+$0x2C30];
	[tilespmem:s6+$0x2C70] =	vst v6  }
0x182: {  	v6 =	vld [tilespmem:s6+$0x7C30]  }
0x183: {  	[tilespmem:s6+$0x2C00] =	vst v3;
	v2 =	vmul.f32 v2, v5;
	v5 =	vld [tilespmem:s6+$0x2C40]  }
0x184: {  	v8 =	vld [tilespmem:s6+$0x7C40]  }
.Ltmp4:
0x185: {  	[tilespmem:s6+$0x2C10] =	vst v2;
	v2 =	vmul.f32 v1, v4;
	v1 =	vld [tilespmem:s6+$0x2C50];
	(pc) =	sbr.rel @p1 .LBB2_11-.Ltmp4, $4  }
0x186: {  	v3 =	vld [tilespmem:s6+$0x7C50]  }
0x187: {  	[tilespmem:s6+$0x2C20] =	vst v2;
	v7 =	vmul.f32 v6, v7;
	v2 =	vld [tilespmem:s6+$0x2C60]  }
0x188: {  	s22 =	sshra.s32 s23, $0x2;
	v4 =	vld [tilespmem:s6+$0x7C60]  }
0x189: {  	s23 =	sadd.s32 $0x200, s23;
	v6 =	vld [tilespmem:s22+$0x2C70];
	[tilespmem:s6+$0x2C30] =	vst v7;
	v5 =	vmul.f32 v8, v5  }
0x18a: {  	v7 =	vld [tilespmem:s22+$0x7C70]  }
0x18b: {  	v8 =	vld [tilespmem:s22+$0x2C00]  }
0x18c: {  	v9 =	vld [tilespmem:s22+$0x7C00]  }
0x18d: {  	v10 =	vld [tilespmem:s22+$0x2C10]  }
0x18e: {  	v11 =	vld [tilespmem:s22+$0x7C10]  }
0x18f: {  	v12 =	vld [tilespmem:s22+$0x2C20]  }
0x190: {  	v56 =	vld [tilespmem:s22+$0x7C20]  }
0x191: {  	v13 =	vld [tilespmem:s22+$0x2C30]  }
0x192: {  	v57 =	vld [tilespmem:s22+$0x7C30]  }
0x193: {  	v59 =	vld [tilespmem:s22+$0x2C40]  }
0x194: {  	v60 =	vld [tilespmem:s22+$0x7C40];
	v1 =	vmul.f32 v3, v1  }
0x195: {  	v61 =	vld [tilespmem:s22+$0x2C50];
	[tilespmem:s6+$0x2C40] =	vst v5;
	v2 =	vmul.f32 v4, v2  }
0x196: {  	v62 =	vld [tilespmem:s22+$0x7C50];
	[tilespmem:s6+$0x2C50] =	vst v1;
	v6 =	vmul.f32 v7, v6  }
0x197: {  	v63 =	vld [tilespmem:s22+$0x2C60];
	v8 =	vmul.f32 v9, v8;
	[tilespmem:s6+$0x2C60] =	vst v2  }
0x198: {  	v3 =	vld [tilespmem:s22+$0x7C60];
	v58 =	vmul.f32 v11, v10;
	[tilespmem:s22+$0x2C70] =	vst v6  }
0x199: {  	v7 =	vmul.f32 v56, v12;
	[tilespmem:s22+$0x2C00] =	vst v8  }
0x19a: {  	v1 =	vmul.f32 v57, v13;
	[tilespmem:s22+$0x2C10] =	vst v58  }
0x19b: {  	v2 =	vmul.f32 v60, v59;
	[tilespmem:s22+$0x2C20] =	vst v7  }
0x19c: {  	[tilespmem:s22+$0x2C30] =	vst v1;
	v1 =	vmul.f32 v62, v61  }
0x19d: {  	[tilespmem:s22+$0x2C40] =	vst v2;
	v2 =	vmul.f32 v3, v63  }
0x19e: {  	[tilespmem:s22+$0x2C50] =	vst v1  }
0x19f: {  	[tilespmem:s22+$0x2C60] =	vst v2  }
0x1a0: {  	_ =	swait.ge [sflag:s20], $0x50  }
0x1a1: {  	[sflag:s20] =	ssyncset.done $0x0  }
.Ltmp5:
0x1a2: {  	s25 =	simm.s32 $0x380;
	[sflag:s20] =	ssyncadd.s32 $0xFFFFFFB0;
	(pc) =	sbr.rel @p0 .LBB2_14-.Ltmp5, $4  }
0x1a3: {  	[spmem:s3] =	stream.indirect.scatter.add.f32 [tilespmem:s31], [sflag:$0xD], $0x80, s25, s26, $0xb8;
	[tilespmem:$0x1E400] =	vst v63  }
0x1a4: {  	_ =	swait.ge [sflag:s13], $0x2800  }
0x1a5: {  	[sflag:s13] =	ssyncset.done $0x0  }
0x1a6: {  	[sflag:s13] =	ssyncadd.s32 $0xFFFFD800  }
0x1a7: {  	s6 =	sadd.s32 s5, s18  }
0x1a8: {  	s18 =	sshrl.u32 s6, $0x3  }
0x1a9: {  	s18 =	sadd.s32 $0x28, s18  }
0x1aa: {  	s23 =	simm.s32 $0x180;
	s22 =	sadd.s32 s17, s18  }
0x1ab: {  	[tilespmem:s23], [sflag:$0x8] =	stream.linear.gather [hbm4b:s22+s4], $0x50, $0x38;
	[tilespmem:$0x1E400] =	vst v63  }
0x1ac: {  	s18 =	sadd.s32 s19, s18  }
0x1ad: {  	[tilespmem:s25], [sflag:$0xC] =	stream.linear.gather [hbm4b:s18+s4], $0x50, $0x38;
	[tilespmem:$0x1E400] =	vst v63  }
0x1ae: {  	_ =	swait.ge [sflag:s28], $0x50  }
.Ltmp6:
0x1af: {  	s6 =	sshll.u32 s6, $0x4;
	[sflag:s28] =	ssyncset.done $0x0;
	(pc) =	sbr.rel .LBB2_4-.Ltmp6, $4  }
0x1b0: {  	s6 =	sadd.s32 s6, s29;
	s25 =	simm.s32 $0x7C00;
	[sflag:s28] =	ssyncadd.s32 $0xFFFFFFB0  }
0x1b1: {  	[tilespmem:s25], [sflag:$0x4] =	stream.linear.gather [hbm4b:s6+s4], $0x2800, $0x38;
	[tilespmem:$0x1E400] =	vst v63  }
0x1b2: {  	s30 =	simm.s32 $0x80;
	s21 =	sadd.s32 $0x1, s21  }
0x1b3: {  	[tilespmem:s31], [sflag:$0x2] =	stream.indirect.gather [hbm4b:s1+s26], $0x80, s30, s26, $0xb8;
	[tilespmem:$0x1E400] =	vst v63  }
.LBB2_14:
0x1b4: {  	_ =	swait.ge [sflag:s2], $0x2800  }
0x1b5: {  	[sflag:s2] =	ssyncset.done $0x0  }
0x1b6: {  	[sflag:s2] =	ssyncadd.s32 $0xFFFFD800  }
0x1b7: {  	_ =	swait.ge [sflag:s0], $0x2800  }
0x1b8: {  	[sflag:s0] =	ssyncset.done $0x0  }
0x1b9: {  	s6 =	simm.s32 $0x0;
	[sflag:s0] =	ssyncadd.s32 $0xFFFFD800  }
0x1ba: {  	v1 =	vld [tilespmem:s6+$0x470]  }
0x1bb: {  	v2 =	vld [tilespmem:s6+$0x5470]  }
0x1bc: {  	v3 =	vld [tilespmem:s6+$0x400]  }
0x1bd: {  	v4 =	vld [tilespmem:s6+$0x5400]  }
0x1be: {  	v5 =	vld [tilespmem:s6+$0x410]  }
0x1bf: {  	v6 =	vld [tilespmem:s6+$0x5410]  }
0x1c0: {  	v7 =	vld [tilespmem:s6+$0x420]  }
0x1c1: {  	v8 =	vld [tilespmem:s6+$0x430]  }
0x1c2: {  	v1 =	vmul.f32 v2, v1;
	v2 =	vld [tilespmem:s6+$0x5420]  }
0x1c3: {  	v3 =	vmul.f32 v4, v3;
	v4 =	vld [tilespmem:s6+$0x5430]  }
0x1c4: {  	v9 =	vld [tilespmem:s6+$0x5440]  }
0x1c5: {  	[tilespmem:s6+$0x470] =	vst v1;
	v1 =	vmul.f32 v6, v5;
	v5 =	vld [tilespmem:s6+$0x440]  }
0x1c6: {  	[tilespmem:s6+$0x400] =	vst v3;
	v3 =	vld [tilespmem:s6+$0x5450]  }
0x1c7: {  	[tilespmem:s6+$0x410] =	vst v1;
	v1 =	vld [tilespmem:s6+$0x450];
	v2 =	vmul.f32 v2, v7  }
0x1c8: {  	v7 =	vmul.f32 v4, v8;
	v4 =	vld [tilespmem:s6+$0x5460]  }
0x1c9: {  	s18 =	simm.s32 $0x80;
	[tilespmem:s6+$0x420] =	vst v2;
	v2 =	vld [tilespmem:s6+$0x460]  }
0x1ca: {  	s21 =	simm.s32 $0x400;
	v6 =	vld [tilespmem:s18+$0x470];
	[tilespmem:s6+$0x430] =	vst v7;
	v5 =	vmul.f32 v9, v5  }
.LBB2_15:
0x1cb: {  	p0 =	sne.s32 s21, $0x9E00;
	v7 =	vld [tilespmem:s18+$0x5470]  }
0x1cc: {  	v8 =	vld [tilespmem:s18+$0x400];
	[tilespmem:s6+$0x440] =	vst v5;
	v1 =	vmul.f32 v3, v1  }
0x1cd: {  	v3 =	vld [tilespmem:s18+$0x5400]  }
0x1ce: {  	v5 =	vld [tilespmem:s18+$0x410];
	[tilespmem:s6+$0x450] =	vst v1;
	v1 =	vmul.f32 v4, v2  }
0x1cf: {  	v2 =	vld [tilespmem:s18+$0x5410]  }
0x1d0: {  	v4 =	vld [tilespmem:s18+$0x420];
	v6 =	vmul.f32 v7, v6;
	[tilespmem:s6+$0x460] =	vst v1;
	s6 =	smov.u32 s18  }
0x1d1: {  	v1 =	vld [tilespmem:s6+$0x5420]  }
0x1d2: {  	v3 =	vmul.f32 v3, v8;
	v7 =	vld [tilespmem:s6+$0x430];
	[tilespmem:s6+$0x470] =	vst v6  }
0x1d3: {  	v6 =	vld [tilespmem:s6+$0x5430]  }
0x1d4: {  	[tilespmem:s6+$0x400] =	vst v3;
	v2 =	vmul.f32 v2, v5;
	v5 =	vld [tilespmem:s6+$0x440]  }
0x1d5: {  	v8 =	vld [tilespmem:s6+$0x5440]  }
.Ltmp7:
0x1d6: {  	[tilespmem:s6+$0x410] =	vst v2;
	v2 =	vmul.f32 v1, v4;
	v1 =	vld [tilespmem:s6+$0x450];
	(pc) =	sbr.rel @p0 .LBB2_15-.Ltmp7, $4  }
0x1d7: {  	v3 =	vld [tilespmem:s6+$0x5450]  }
0x1d8: {  	[tilespmem:s6+$0x420] =	vst v2;
	v7 =	vmul.f32 v6, v7;
	v2 =	vld [tilespmem:s6+$0x460]  }
0x1d9: {  	s18 =	sshra.s32 s21, $0x2;
	v4 =	vld [tilespmem:s6+$0x5460]  }
0x1da: {  	s21 =	sadd.s32 $0x200, s21;
	v6 =	vld [tilespmem:s18+$0x470];
	[tilespmem:s6+$0x430] =	vst v7;
	v5 =	vmul.f32 v8, v5  }
0x1db: {  	v7 =	vld [tilespmem:s18+$0x5470]  }
0x1dc: {  	v8 =	vld [tilespmem:s18+$0x400]  }
0x1dd: {  	v9 =	vld [tilespmem:s18+$0x5400]  }
0x1de: {  	v10 =	vld [tilespmem:s18+$0x410]  }
0x1df: {  	v11 =	vld [tilespmem:s18+$0x5410]  }
0x1e0: {  	v12 =	vld [tilespmem:s18+$0x420]  }
0x1e1: {  	v56 =	vld [tilespmem:s18+$0x5420]  }
0x1e2: {  	v13 =	vld [tilespmem:s18+$0x430]  }
0x1e3: {  	v57 =	vld [tilespmem:s18+$0x5430]  }
0x1e4: {  	v59 =	vld [tilespmem:s18+$0x440]  }
0x1e5: {  	v60 =	vld [tilespmem:s18+$0x5440];
	v1 =	vmul.f32 v3, v1  }
0x1e6: {  	v61 =	vld [tilespmem:s18+$0x450];
	[tilespmem:s6+$0x440] =	vst v5;
	v2 =	vmul.f32 v4, v2  }
0x1e7: {  	v62 =	vld [tilespmem:s18+$0x5450];
	[tilespmem:s6+$0x450] =	vst v1;
	v6 =	vmul.f32 v7, v6  }
0x1e8: {  	v63 =	vld [tilespmem:s18+$0x460];
	v8 =	vmul.f32 v9, v8;
	[tilespmem:s6+$0x460] =	vst v2  }
0x1e9: {  	v3 =	vld [tilespmem:s18+$0x5460];
	v58 =	vmul.f32 v11, v10;
	[tilespmem:s18+$0x470] =	vst v6  }
0x1ea: {  	v7 =	vmul.f32 v56, v12;
	[tilespmem:s18+$0x400] =	vst v8  }
0x1eb: {  	v1 =	vmul.f32 v57, v13;
	[tilespmem:s18+$0x410] =	vst v58  }
0x1ec: {  	v2 =	vmul.f32 v60, v59;
	[tilespmem:s18+$0x420] =	vst v7  }
0x1ed: {  	[tilespmem:s18+$0x430] =	vst v1;
	v1 =	vmul.f32 v62, v61  }
0x1ee: {  	[tilespmem:s18+$0x440] =	vst v2;
	v2 =	vmul.f32 v3, v63  }
0x1ef: {  	[tilespmem:s18+$0x450] =	vst v1  }
0x1f0: {  	[tilespmem:s18+$0x460] =	vst v2  }
0x1f1: {  	_ =	swait.ge [sflag:s7], $0x50  }
0x1f2: {  	[sflag:s7] =	ssyncset.done $0x0  }
0x1f3: {  	[sflag:s7] =	ssyncadd.s32 $0xFFFFFFB0  }
0x1f4: {  	[spmem:s3] =	stream.indirect.scatter.add.f32 [tilespmem:s12], [sflag:$0xD], $0x80, s14, s26, $0xb8;
	[tilespmem:$0x1E400] =	vst v63  }
0x1f5: {  	_ =	swait.ge [sflag:s13], $0x2800  }
0x1f6: {  	[sflag:s13] =	ssyncset.done $0x0  }
0x1f7: {  	[sflag:s13] =	ssyncadd.s32 $0xFFFFD800  }
0x1f8: {  	s23 =	stileid.u32;
	[bflag:$0x0] =	sbarrier.arrive $0xFFFF  }
0x1f9: {  	s6 =	sshll.u32 s23, $0x6;
	s22 =	rddreg [dreg:$0x19]  }
0x1fa: {  	s6 =	sor.u32 $0x1C0D, s6;
	s21 =	rddreg [dreg:$0x7];
	s30 =	sshrl.u32 s22, $0x3  }
0x1fb: {  	[hbm:s21], [sflag:s6] =	dma.local [spmem:s30], $0x500  }
0x1fc: {  	_ =	swait.ge [sflag:s13], $0x500  }
0x1fd: {  	[sflag:s13] =	ssyncset.done $0x0;
	s23 =	rddreg [dreg:$0x1a]  }
0x1fe: {  	s30 =	rddreg [dreg:$0x8];
	[sflag:s13] =	ssyncadd.s32 $0xFFFFFB00;
	s18 =	sshrl.u32 s23, $0x3  }
0x1ff: {  	[hbm:s30], [sflag:s6] =	dma.local [spmem:s18], $0x500  }
0x200: {  	_ =	swait.ge [sflag:s13], $0x500  }
0x201: {  	[sflag:s13] =	ssyncset.done $0x0;
	s23 =	rddreg [dreg:$0x1b]  }
0x202: {  	s30 =	rddreg [dreg:$0x9];
	[sflag:s13] =	ssyncadd.s32 $0xFFFFFB00;
	s18 =	sshrl.u32 s23, $0x3  }
0x203: {  	[hbm:s30], [sflag:s6] =	dma.local [spmem:s18], $0x500  }
0x204: {  	_ =	swait.ge [sflag:s13], $0x500  }
0x205: {  	[sflag:s13] =	ssyncset.done $0x0;
	s23 =	rddreg [dreg:$0x1c]  }
0x206: {  	s30 =	rddreg [dreg:$0xa];
	[sflag:s13] =	ssyncadd.s32 $0xFFFFFB00;
	s18 =	sshrl.u32 s23, $0x3  }
0x207: {  	[hbm:s30], [sflag:s6] =	dma.local [spmem:s18], $0x500  }
0x208: {  	_ =	swait.ge [sflag:s13], $0x500  }
0x209: {  	[sflag:s13] =	ssyncset.done $0x0;
	s23 =	rddreg [dreg:$0x1d]  }
0x20a: {  	s30 =	rddreg [dreg:$0xb];
	[sflag:s13] =	ssyncadd.s32 $0xFFFFFB00;
	s18 =	sshrl.u32 s23, $0x3  }
0x20b: {  	[hbm:s30], [sflag:s6] =	dma.local [spmem:s18], $0x500  }
0x20c: {  	_ =	swait.ge [sflag:s13], $0x500  }
0x20d: {  	[sflag:s13] =	ssyncset.done $0x0;
	s23 =	rddreg [dreg:$0x1e]  }
0x20e: {  	s30 =	rddreg [dreg:$0xc];
	[sflag:s13] =	ssyncadd.s32 $0xFFFFFB00;
	s18 =	sshrl.u32 s23, $0x3  }
0x20f: {  	[hbm:s30], [sflag:s6] =	dma.local [spmem:s18], $0x500  }
0x210: {  	_ =	swait.ge [sflag:s13], $0x500  }
0x211: {  	[sflag:s13] =	ssyncset.done $0x0;
	s23 =	rddreg [dreg:$0x1f]  }
0x212: {  	s30 =	rddreg [dreg:$0xd];
	[sflag:s13] =	ssyncadd.s32 $0xFFFFFB00;
	s18 =	sshrl.u32 s23, $0x3  }
0x213: {  	[hbm:s30], [sflag:s6] =	dma.local [spmem:s18], $0x500  }
0x214: {  	_ =	swait.ge [sflag:s13], $0x500  }
0x215: {  	s23 =	sld [smem:$0x7FD];
	_ =	sdelay $0x1  }
0x216: {  	[sflag:s13] =	ssyncset.done $0x0  }
0x217: {  	s30 =	rddreg [dreg:$0xe];
	[sflag:s13] =	ssyncadd.s32 $0xFFFFFB00;
	s18 =	sshrl.u32 s23, $0x3  }
0x218: {  	[hbm:s30], [sflag:s6] =	dma.local [spmem:s18], $0x500  }
0x219: {  	_ =	swait.ge [sflag:s13], $0x500  }
0x21a: {  	s23 =	sld [smem:$0x7FC];
	_ =	sdelay $0x2  }
0x21b: {  	s30 =	rddreg [dreg:$0x18];
	s18 =	sadd.s32 $0x1, s23  }
0x21c: {  	p0 =	sne.s32 s18, s30  }
.Ltmp8:
0x21d: {  	_ = 	snop;
	(pc) =	sbr.rel @p0 .LBB2_1-.Ltmp8, $3  }
0x21e: {  	_ =	sdelay $0x1  }
0x21f: {  	[sflag:s13] =	ssyncset.done $0x0  }
0x220: {  	[sflag:s13] =	ssyncadd.s32 $0xFFFFFB00  }
0x221: {  	_ =	sfence.sel $0x180000  }
0x222: {  	[bflag:$0x0] =	sbarrier.arrive $0xFFFF  }
0x223: {  	_ =	strace $0x90000047  }
0x224: {  	s0 =	stileid.u32;
	[bflag:$0x2] =	sbarrier.arrive $0xFFFF  }
0x225: {  	p0 =	sne.s32 s0, $0x0;
	s0 =	rddreg [dreg:$0x3]  }
0x226: {  	s0 =	sadd.s32 @!p0 $0x100000, s0  }
0x227: {  	[sflag:s0] =	ssyncadd.tile.s32 @!p0 $0x1;
	_ =	shalt  }
.Lfunc_end2:
_tile_overlayer_lowered:
.L_overlay_start_2:
0x228: {  	(tag) =	ssettag $0x2  }
0x229: {  	s0 =	rddreg [dreg:$0x0];
	s2 =	stileid.u32  }
0x22a: {  	s1 =	rddreg [dreg:$0x1];
	p0 =	sne.s32 s2, $0x0  }
0x22b: {  	s3 =	rddreg [dreg:$0x2];
	[bflag:$0x3] =	sbarrier.arrive $0xFFFF;
	s2 =	simm.s32 @!p0 $0x1C0D  }
0x22c: {  	[timem:s3], [sflag:s2] =	dma.local @!p0 [hbm:s0], s1  }
0x22d: {  	s0 =	simm.s32 @!p0 $0xD  }
0x22e: {  	_ =	swait.ge @!p0 [sflag:s0], s1  }
0x22f: {  	s1 =	ssub.s32 @!p0 $0x0, s1;
	[sflag:s0] =	ssyncset.done @!p0 $0x0  }
0x230: {  	[sflag:s0] =	ssyncadd.s32 @!p0 s1  }
0x231: {  	[bflag:$0x3] =	sbarrier.arrive $0xFFFF  }
0x232: {  	_ =	shalt  }

</sc_bundles>
